<compile_context>
chip_gen: v7x
topology: tpu7x:2x2x1
jax: 0.10.2.dev20260603
libtpu: 0.0.44.dev20260713+nightly
codegen_flags: <defaults>
</compile_context>

<pallas_src>
import functools

import jax
import jax.numpy as jnp
from jax import lax
from jax.experimental import pallas as pl
from jax.experimental.pallas import tpu as pltpu
from jax.experimental.pallas import tpu_sc as plsc

N = 10000
NP = 10240
D_IN = 128
D = 64
C = 40
CP = 64
E = 320000
NC, NS = 2, 16
NW = NC * NS
CHUNK = 128
CPW = 80
E_PAD = NW * CPW * CHUNK
DUMMY = N
WDEG = 8
RPT = NP // NS

_MESH = plsc.VectorSubcoreMesh(core_axis_name="c", subcore_axis_name="s")


@functools.partial(
    pl.kernel,
    out_type=jax.ShapeDtypeStruct((NP, NC * WDEG), jnp.float32),
    mesh=_MESH,
    scratch_types=[
        pltpu.VMEM((CPW, CHUNK), jnp.int32),
        pltpu.VMEM((CHUNK, WDEG), jnp.float32),
        pltpu.VMEM_SHARED((NP, WDEG), jnp.float32),
        pltpu.SemaphoreType.DMA,
    ],
    compiler_params=pltpu.CompilerParams(use_tc_tiling_on_sc=False),
)
def _deg_sc(edges_hbm, ones_hbm, zeros_hbm, out_hbm, row_v, ones_v, acc, ssem):
    c = lax.axis_index("c")
    s = lax.axis_index("s")
    w = s * NC + c
    pltpu.sync_copy(edges_hbm.at[0, pl.ds(w * CPW, CPW)], row_v)
    pltpu.sync_copy(ones_hbm, ones_v)
    pltpu.sync_copy(zeros_hbm.at[pl.ds(s * RPT, RPT)], acc.at[pl.ds(s * RPT, RPT)])
    plsc.subcore_barrier()

    def body(j, carry):
        pltpu.async_copy(ones_v, acc.at[row_v.at[j]], ssem, add=True)
        return carry

    lax.fori_loop(0, CPW, body, 0)

    def drain(j, carry):
        pltpu.make_async_copy(ones_v, acc.at[row_v.at[0]], ssem).wait()
        return carry

    lax.fori_loop(0, CPW, drain, 0)
    plsc.subcore_barrier()
    pltpu.sync_copy(acc.at[pl.ds(s * RPT, RPT)],
                    out_hbm.at[pl.ds(s * RPT, RPT), pl.ds(c * WDEG, WDEG)])


@functools.partial(
    pl.kernel,
    out_type=jax.ShapeDtypeStruct((NP, NC * D), jnp.float32),
    mesh=_MESH,
    scratch_types=[
        pltpu.VMEM((CPW, CHUNK), jnp.int32),
        pltpu.VMEM((CPW, CHUNK), jnp.int32),
        pltpu.VMEM((CHUNK, D), jnp.float32),
        pltpu.VMEM((CHUNK, D), jnp.float32),
        pltpu.VMEM_SHARED((NP, D), jnp.float32),
        pltpu.VMEM_SHARED((NP, D), jnp.float32),
        pltpu.SemaphoreType.DMA,
        pltpu.SemaphoreType.DMA,
    ],
    compiler_params=pltpu.CompilerParams(use_tc_tiling_on_sc=False),
)
def _agg_sc(s_hbm, edges_hbm, zeros_hbm, out_hbm,
            row_v, col_v, bufa, bufb, acc, s_sp, sema, semb):
    c = lax.axis_index("c")
    s = lax.axis_index("s")
    w = s * NC + c
    pltpu.sync_copy(edges_hbm.at[0, pl.ds(w * CPW, CPW)], row_v)
    pltpu.sync_copy(edges_hbm.at[1, pl.ds(w * CPW, CPW)], col_v)
    pltpu.sync_copy(zeros_hbm.at[pl.ds(s * RPT, RPT)], acc.at[pl.ds(s * RPT, RPT)])
    pltpu.sync_copy(s_hbm.at[pl.ds(s * RPT, RPT)], s_sp.at[pl.ds(s * RPT, RPT)])
    plsc.subcore_barrier()

    def wait_g(buf, sem):
        pltpu.make_async_copy(s_sp.at[row_v.at[0]], buf, sem).wait()

    def prefetch(j, buf, sem):
        pltpu.async_copy(s_sp.at[row_v.at[j]], buf, sem)

    prefetch(0, bufa, sema)
    prefetch(1, bufb, semb)

    def body(i, carry):
        j = 2 * i
        wait_g(bufa, sema)
        pltpu.sync_copy(bufa, acc.at[col_v.at[j]], add=True)
        prefetch(j + 2, bufa, sema)
        wait_g(bufb, semb)
        pltpu.sync_copy(bufb, acc.at[col_v.at[j + 1]], add=True)
        prefetch(j + 3, bufb, semb)
        return carry

    lax.fori_loop(0, CPW // 2 - 1, body, 0)
    wait_g(bufa, sema)
    pltpu.sync_copy(bufa, acc.at[col_v.at[CPW - 2]], add=True)
    wait_g(bufb, semb)
    pltpu.sync_copy(bufb, acc.at[col_v.at[CPW - 1]], add=True)
    plsc.subcore_barrier()
    pltpu.sync_copy(acc.at[pl.ds(s * RPT, RPT)],
                    out_hbm.at[pl.ds(s * RPT, RPT), pl.ds(c * D, D)])


def _dis(degp_ref):
    deg = degp_ref[:, 0:1] + degp_ref[:, WDEG:WDEG + 1] + 1.0
    return lax.rsqrt(deg)


def _tc1a_body(x_ref, w1_ref, b1_ref, h_ref):
    h_ref[0:N] = lax.dot_general(
        x_ref[...], w1_ref[...], (((1,), (1,)), ((), ())),
        preferred_element_type=jnp.float32) + b1_ref[...]
    h_ref[N:] = jnp.zeros((NP - N, D), jnp.float32)


def _tc1b_body(h_ref, degp_ref, s1_ref):
    s1_ref[...] = h_ref[...] * _dis(degp_ref)


def _tc2_body(p_ref, s1_ref, degp_ref, w2_ref, b2_ref, s2_ref):
    dis = _dis(degp_ref)
    h1 = jnp.maximum(
        dis * (p_ref[:, 0:D] + p_ref[:, D:2 * D] + s1_ref[...]), 0.0)
    h = lax.dot_general(h1, w2_ref[...], (((1,), (1,)), ((), ())),
                        preferred_element_type=jnp.float32) + b2_ref[...]
    s2_ref[...] = h * dis


def _tc3_body(p_ref, s2_ref, degp_ref, w3_ref, b3_ref, out_ref):
    h2 = _dis(degp_ref)[0:N] * (
        p_ref[0:N, 0:D] + p_ref[0:N, D:2 * D] + s2_ref[0:N])
    logits = lax.dot_general(h2, w3_ref[...], (((1,), (1,)), ((), ())),
                             preferred_element_type=jnp.float32) + b3_ref[...]
    m = jnp.max(logits, axis=1, keepdims=True)
    lse = m + jnp.log(jnp.sum(jnp.exp(logits - m), axis=1, keepdims=True))
    out_ref[...] = (logits - lse)[:, :C]


_tc1a = pl.pallas_call(_tc1a_body, out_shape=jax.ShapeDtypeStruct((NP, D), jnp.float32))
_tc1b = pl.pallas_call(_tc1b_body, out_shape=jax.ShapeDtypeStruct((NP, D), jnp.float32))
_tc2 = pl.pallas_call(_tc2_body, out_shape=jax.ShapeDtypeStruct((NP, D), jnp.float32))
_tc3 = pl.pallas_call(_tc3_body, out_shape=jax.ShapeDtypeStruct((N, C), jnp.float32))


def kernel(x, edge_index, W1, b1, W2, b2, W3, b3):
    edges = jnp.pad(edge_index.astype(jnp.int32).reshape(2, E // CHUNK, CHUNK),
                    ((0, 0), (0, NW * CPW - E // CHUNK), (0, 0)),
                    constant_values=DUMMY)
    zeros_d = jnp.zeros((NP, D), jnp.float32)
    zeros_w = jnp.zeros((NP, WDEG), jnp.float32)
    ones_w = jnp.ones((CHUNK, WDEG), jnp.float32)

    h1 = _tc1a(x, W1, b1.reshape(1, D))
    degp = _deg_sc(edges, ones_w, zeros_w)
    s1 = _tc1b(h1, degp)
    p1 = _agg_sc(s1, edges, zeros_d)
    s2 = _tc2(p1, s1, degp, W2, b2.reshape(1, D))
    p2 = _agg_sc(s2, edges, zeros_d)
    w3p = jnp.pad(W3, ((0, CP - C), (0, 0)))
    b3p = jnp.concatenate(
        [b3, jnp.full((CP - C,), -1e30, jnp.float32)]).reshape(1, CP)
    return _tc3(p2, s2, degp, w3p, b3p)

# --- scband reference (transcript-rebuilt; emitter-appended) ---
"""Pipeline reference for scband-net-12077448037023 (READ-ONLY COPY).

The authoritative reference and input builder live on the scoring server;
editing this copy changes nothing except your own understanding.
"""

import jax, jax.numpy as jnp
import numpy as np

N_NODES = 10000
N_EDGES = 320000
D_IN = 128
D_HID = 64
N_CLASSES = 40


def setup_inputs(seed: int = 0) -> dict:
    key = jax.random.key(seed)
    ks = jax.random.split(key, 8)
    x = jax.random.normal(ks[0], (N_NODES, D_IN), dtype=jnp.float32)
    edge_index = jax.random.randint(ks[1], (2, N_EDGES), 0, N_NODES, dtype=jnp.int64)
    W1 = jax.random.normal(ks[2], (D_HID, D_IN), dtype=jnp.float32) * (1.0 / np.sqrt(D_IN))
    b1 = jnp.zeros((D_HID,), dtype=jnp.float32)
    W2 = jax.random.normal(ks[3], (D_HID, D_HID), dtype=jnp.float32) * (1.0 / np.sqrt(D_HID))
    b2 = jnp.zeros((D_HID,), dtype=jnp.float32)
    W3 = jax.random.normal(ks[4], (N_CLASSES, D_HID), dtype=jnp.float32) * (1.0 / np.sqrt(D_HID))
    b3 = jnp.zeros((N_CLASSES,), dtype=jnp.float32)
    return {"x": x, "edge_index": edge_index, "W1": W1, "b1": b1, "W2": W2, "b2": b2, "W3": W3, "b3": b3}


def gcn_conv(x, edge_index, W, b):
    N = x.shape[0]
    # add self loops
    loops = jnp.arange(N, dtype=edge_index.dtype)
    row = jnp.concatenate([edge_index[0], loops])  # source (j)
    col = jnp.concatenate([edge_index[1], loops])  # target (i)
    # linear
    x = x @ W.T + b
    # symmetric normalization
    deg = jax.ops.segment_sum(jnp.ones(row.shape, dtype=x.dtype), row, num_segments=N)
    deg_inv_sqrt = deg ** -0.5
    norm = deg_inv_sqrt[row] * deg_inv_sqrt[col]
    # message = norm * x_j, aggregate (add) at target nodes
    msgs = norm[:, None] * jnp.take(x, row, axis=0)
    out = jax.ops.segment_sum(msgs, col, num_segments=N)
    return out


def reference(x, edge_index, W1, b1, W2, b2, W3, b3):
    h = gcn_conv(x, edge_index, W1, b1)
    h = jax.nn.relu(h)
    # dropout is identity in eval mode
    h = gcn_conv(h, edge_index, W2, b2)
    h = h @ W3.T + b3
    return jax.nn.log_softmax(h, axis=1)

if __name__ == "__main__":
    import jax
    _d = setup_inputs()
    print(jax.jit(kernel)(*tuple(_d.values())))

</pallas_src>

<mosaic_0001>
#map = affine_map<(d0, d1) -> (0, 0, 0)>
#map1 = affine_map<(d0, d1) -> (0, 0)>
module attributes {stable_mosaic.version = 14 : i64} {
  func.func @_deg_sc(%arg0: i32, %arg1: i32, %arg2: memref<2x2560x128xi32, #tpu.memory_space<hbm>>, %arg3: memref<128x8xf32, #tpu.memory_space<hbm>>, %arg4: memref<10240x8xf32, #tpu.memory_space<hbm>>, %arg5: memref<10240x16xf32, #tpu.memory_space<hbm>>, %arg6: memref<80x128xi32, #tpu.memory_space<vmem>>, %arg7: memref<128x8xf32, #tpu.memory_space<vmem>>, %arg8: memref<10240x8xf32, #tpu.memory_space<vmem_shared>>, %arg9: memref<!tpu.dma_semaphore, #tpu.memory_space<semaphore_mem>>) attributes {dimension_semantics = [#tpu.dimension_semantics<core_parallel>, #tpu.dimension_semantics<subcore_parallel>], iteration_bounds = array<i64: 2, 16>, scalar_prefetch = 0 : i64, scratch_operands = 4 : i64, tpu.core_type = #tpu.core_type<sc_vector_subcore>, window_params = [{transform_indices = #map}, {transform_indices = #map1}, {transform_indices = #map1}, {transform_indices = #map1}]} {
    %mul3A = arith.constant 2 : i32
    %mul3A_0 = arith.muli %arg1, %mul3A : i32
    %add3A = arith.addi %mul3A_0, %arg0 : i32
    %mul3A_1 = arith.constant 80 : i32
    %mul3A_2 = arith.muli %add3A, %mul3A_1 : i32
    %run_scoped3A = arith.constant 0 : i32
    "tpu.region"() ({
      %run_scoped3A_25 = tpu.sem_alloc : memref<!tpu.dma_semaphore, #tpu.memory_space<semaphore_mem>>
      %dma_start3A = arith.constant 0 : i32
      %dma_start3A_26 = tpu.memref_slice %arg2[%run_scoped3A, %mul3A_2, %dma_start3A] : memref<2x2560x128xi32, #tpu.memory_space<hbm>> -> memref<1x80x128xi32, #tpu.memory_space<hbm>>
      %dma_start3A_27 = tpu.memref_squeeze %dma_start3A_26 : memref<1x80x128xi32, #tpu.memory_space<hbm>> -> memref<80x128xi32, #tpu.memory_space<hbm>>
      %dma_start3A_28 = arith.constant 0 : i32
      %dma_start3A_29 = tpu.memref_slice %arg2[%run_scoped3A, %mul3A_2, %dma_start3A_28] : memref<2x2560x128xi32, #tpu.memory_space<hbm>> -> memref<1x80x128xi32, #tpu.memory_space<hbm>>
      %dma_start3A_30 = tpu.memref_squeeze %dma_start3A_29 : memref<1x80x128xi32, #tpu.memory_space<hbm>> -> memref<80x128xi32, #tpu.memory_space<hbm>>
      tpu.enqueue_dma source(%dma_start3A_30 : memref<80x128xi32, #tpu.memory_space<hbm>>) target(%arg6 : memref<80x128xi32, #tpu.memory_space<vmem>>) target_semaphore(%run_scoped3A_25 : memref<!tpu.dma_semaphore, #tpu.memory_space<semaphore_mem>>)
      %dma_wait3A = arith.constant 0 : i32
      %dma_wait3A_31 = tpu.memref_slice %arg2[%run_scoped3A, %mul3A_2, %dma_wait3A] : memref<2x2560x128xi32, #tpu.memory_space<hbm>> -> memref<1x80x128xi32, #tpu.memory_space<hbm>>
      %dma_wait3A_32 = tpu.memref_squeeze %dma_wait3A_31 : memref<1x80x128xi32, #tpu.memory_space<hbm>> -> memref<80x128xi32, #tpu.memory_space<hbm>>
      %dma_wait3A_33 = arith.constant 0 : i32
      %dma_wait3A_34 = tpu.memref_slice %arg2[%run_scoped3A, %mul3A_2, %dma_wait3A_33] : memref<2x2560x128xi32, #tpu.memory_space<hbm>> -> memref<1x80x128xi32, #tpu.memory_space<hbm>>
      %dma_wait3A_35 = tpu.memref_squeeze %dma_wait3A_34 : memref<1x80x128xi32, #tpu.memory_space<hbm>> -> memref<80x128xi32, #tpu.memory_space<hbm>>
      tpu.wait_dma2 semaphore(%run_scoped3A_25 : memref<!tpu.dma_semaphore, #tpu.memory_space<semaphore_mem>>) src(%dma_wait3A_35 : memref<80x128xi32, #tpu.memory_space<hbm>>) dst(%arg6 : memref<80x128xi32, #tpu.memory_space<vmem>>)
      tpu.yield
    }) : () -> ()
    "tpu.region"() ({
      %run_scoped3A_25 = tpu.sem_alloc : memref<!tpu.dma_semaphore, #tpu.memory_space<semaphore_mem>>
      tpu.enqueue_dma source(%arg3 : memref<128x8xf32, #tpu.memory_space<hbm>>) target(%arg7 : memref<128x8xf32, #tpu.memory_space<vmem>>) target_semaphore(%run_scoped3A_25 : memref<!tpu.dma_semaphore, #tpu.memory_space<semaphore_mem>>)
      tpu.wait_dma2 semaphore(%run_scoped3A_25 : memref<!tpu.dma_semaphore, #tpu.memory_space<semaphore_mem>>) src(%arg3 : memref<128x8xf32, #tpu.memory_space<hbm>>) dst(%arg7 : memref<128x8xf32, #tpu.memory_space<vmem>>)
      tpu.yield
    }) : () -> ()
    %mul3A_3 = arith.constant 640 : i32
    %mul3A_4 = arith.muli %arg1, %mul3A_3 : i32
    %mul3A_5 = arith.constant 640 : i32
    %mul3A_6 = arith.muli %arg1, %mul3A_5 : i32
    "tpu.region"() ({
      %run_scoped3A_25 = tpu.sem_alloc : memref<!tpu.dma_semaphore, #tpu.memory_space<semaphore_mem>>
      %dma_start3A = arith.constant 0 : i32
      %dma_start3A_26 = tpu.memref_slice %arg8[%mul3A_6, %dma_start3A] : memref<10240x8xf32, #tpu.memory_space<vmem_shared>> -> memref<640x8xf32, #tpu.memory_space<vmem_shared>>
      %dma_start3A_27 = arith.constant 0 : i32
      %dma_start3A_28 = tpu.memref_slice %arg4[%mul3A_4, %dma_start3A_27] : memref<10240x8xf32, #tpu.memory_space<hbm>> -> memref<640x8xf32, #tpu.memory_space<hbm>>
      tpu.enqueue_dma source(%dma_start3A_28 : memref<640x8xf32, #tpu.memory_space<hbm>>) target(%dma_start3A_26 : memref<640x8xf32, #tpu.memory_space<vmem_shared>>) target_semaphore(%run_scoped3A_25 : memref<!tpu.dma_semaphore, #tpu.memory_space<semaphore_mem>>)
      %dma_wait3A = arith.constant 0 : i32
      %dma_wait3A_29 = tpu.memref_slice %arg8[%mul3A_6, %dma_wait3A] : memref<10240x8xf32, #tpu.memory_space<vmem_shared>> -> memref<640x8xf32, #tpu.memory_space<vmem_shared>>
      %dma_wait3A_30 = arith.constant 0 : i32
      %dma_wait3A_31 = tpu.memref_slice %arg4[%mul3A_4, %dma_wait3A_30] : memref<10240x8xf32, #tpu.memory_space<hbm>> -> memref<640x8xf32, #tpu.memory_space<hbm>>
      tpu.wait_dma2 semaphore(%run_scoped3A_25 : memref<!tpu.dma_semaphore, #tpu.memory_space<semaphore_mem>>) src(%dma_wait3A_31 : memref<640x8xf32, #tpu.memory_space<hbm>>) dst(%dma_wait3A_29 : memref<640x8xf32, #tpu.memory_space<vmem_shared>>)
      tpu.yield
    }) : () -> ()
    %barrier3A = arith.constant 0 : index
    tpu.barrier barrier_id(%barrier3A)
    %scan3A = arith.constant 0 : i32
    %scan3A_7 = arith.constant 0 : i32
    %scan3A_8 = arith.constant 80 : i32
    %scan3A_9 = arith.addi %scan3A_7, %scan3A_8 : i32
    %scan3A_10 = arith.constant 1 : i32
    scf.for %scan3A_25 = %scan3A_7 to %scan3A_9 step %scan3A_10  : i32 {
      %dma_start3A = arith.constant 0 : i32
      %dma_start3A_26 = tpu.memref_slice %arg6[%scan3A_25, %dma_start3A] : memref<80x128xi32, #tpu.memory_space<vmem>> -> memref<1x128xi32, #tpu.memory_space<vmem>>
      %dma_start3A_27 = tpu.memref_squeeze %dma_start3A_26 : memref<1x128xi32, #tpu.memory_space<vmem>> -> memref<128xi32, #tpu.memory_space<vmem>>
      %dma_start3A_28 = arith.constant 0 : i32
      %dma_start3A_29 = arith.constant 0 : i32
      %dma_start3A_30 = tpu.memref_slice %arg8[%dma_start3A_28, %dma_start3A_29] : memref<10240x8xf32, #tpu.memory_space<vmem_shared>> -> memref<10240x8xf32, #tpu.memory_space<vmem_shared>>
      tpu.enqueue_indirect_dma source(%arg7 : memref<128x8xf32, #tpu.memory_space<vmem>>) target(%dma_start3A_30 : memref<10240x8xf32, #tpu.memory_space<vmem_shared>>) offsets(%dma_start3A_27 : memref<128xi32, #tpu.memory_space<vmem>>) semaphore(%arg9 : memref<!tpu.dma_semaphore, #tpu.memory_space<semaphore_mem>>) {add = true}
    }
    %scan3A_11 = arith.constant 80 : i32
    %scan3A_12 = arith.constant 0 : i32
    %scan3A_13 = arith.constant 0 : i32
    %scan3A_14 = arith.constant 80 : i32
    %scan3A_15 = arith.addi %scan3A_13, %scan3A_14 : i32
    %scan3A_16 = arith.constant 1 : i32
    scf.for %scan3A_25 = %scan3A_13 to %scan3A_15 step %scan3A_16  : i32 {
      %dma_wait3A = arith.constant 0 : i32
      %dma_wait3A_26 = arith.constant 0 : i32
      %dma_wait3A_27 = tpu.memref_slice %arg6[%dma_wait3A, %dma_wait3A_26] : memref<80x128xi32, #tpu.memory_space<vmem>> -> memref<1x128xi32, #tpu.memory_space<vmem>>
      %dma_wait3A_28 = tpu.memref_squeeze %dma_wait3A_27 : memref<1x128xi32, #tpu.memory_space<vmem>> -> memref<128xi32, #tpu.memory_space<vmem>>
      %dma_wait3A_29 = arith.constant 0 : i32
      %dma_wait3A_30 = arith.constant 0 : i32
      %dma_wait3A_31 = tpu.memref_slice %arg8[%dma_wait3A_29, %dma_wait3A_30] : memref<10240x8xf32, #tpu.memory_space<vmem_shared>> -> memref<10240x8xf32, #tpu.memory_space<vmem_shared>>
      tpu.wait_indirect_dma semaphore(%arg9 : memref<!tpu.dma_semaphore, #tpu.memory_space<semaphore_mem>>) src(%arg7 : memref<128x8xf32, #tpu.memory_space<vmem>>) dst(%dma_wait3A_31 : memref<10240x8xf32, #tpu.memory_space<vmem_shared>>)
    }
    %scan3A_17 = arith.constant 80 : i32
    %barrier3A_18 = arith.constant 0 : index
    tpu.barrier barrier_id(%barrier3A_18)
    %mul3A_19 = arith.constant 640 : i32
    %mul3A_20 = arith.muli %arg1, %mul3A_19 : i32
    %mul3A_21 = arith.constant 640 : i32
    %mul3A_22 = arith.muli %arg1, %mul3A_21 : i32
    %mul3A_23 = arith.constant 8 : i32
    %mul3A_24 = arith.muli %arg0, %mul3A_23 : i32
    "tpu.region"() ({
      %run_scoped3A_25 = tpu.sem_alloc : memref<!tpu.dma_semaphore, #tpu.memory_space<semaphore_mem>>
      %dma_start3A = tpu.memref_slice %arg5[%mul3A_22, %mul3A_24] : memref<10240x16xf32, #tpu.memory_space<hbm>> -> memref<640x8xf32, #tpu.memory_space<hbm>>
      %dma_start3A_26 = arith.constant 0 : i32
      %dma_start3A_27 = tpu.memref_slice %arg8[%mul3A_20, %dma_start3A_26] : memref<10240x8xf32, #tpu.memory_space<vmem_shared>> -> memref<640x8xf32, #tpu.memory_space<vmem_shared>>
      tpu.enqueue_dma source(%dma_start3A_27 : memref<640x8xf32, #tpu.memory_space<vmem_shared>>) target(%dma_start3A : memref<640x8xf32, #tpu.memory_space<hbm>>) target_semaphore(%run_scoped3A_25 : memref<!tpu.dma_semaphore, #tpu.memory_space<semaphore_mem>>)
      %dma_wait3A = tpu.memref_slice %arg5[%mul3A_22, %mul3A_24] : memref<10240x16xf32, #tpu.memory_space<hbm>> -> memref<640x8xf32, #tpu.memory_space<hbm>>
      %dma_wait3A_28 = arith.constant 0 : i32
      %dma_wait3A_29 = tpu.memref_slice %arg8[%mul3A_20, %dma_wait3A_28] : memref<10240x8xf32, #tpu.memory_space<vmem_shared>> -> memref<640x8xf32, #tpu.memory_space<vmem_shared>>
      tpu.wait_dma2 semaphore(%run_scoped3A_25 : memref<!tpu.dma_semaphore, #tpu.memory_space<semaphore_mem>>) src(%dma_wait3A_29 : memref<640x8xf32, #tpu.memory_space<vmem_shared>>) dst(%dma_wait3A : memref<640x8xf32, #tpu.memory_space<hbm>>)
      tpu.yield
    }) : () -> ()
    return
  }
}

#map = affine_map<(d0, d1) -> (0, 0)>
#map1 = affine_map<(d0, d1) -> (0, 0, 0)>
module attributes {stable_mosaic.version = 14 : i64} {
  func.func @_agg_sc(%arg0: i32, %arg1: i32, %arg2: memref<10240x64xf32, #tpu.memory_space<hbm>>, %arg3: memref<2x2560x128xi32, #tpu.memory_space<hbm>>, %arg4: memref<10240x64xf32, #tpu.memory_space<hbm>>, %arg5: memref<10240x128xf32, #tpu.memory_space<hbm>>, %arg6: memref<80x128xi32, #tpu.memory_space<vmem>>, %arg7: memref<80x128xi32, #tpu.memory_space<vmem>>, %arg8: memref<128x64xf32, #tpu.memory_space<vmem>>, %arg9: memref<128x64xf32, #tpu.memory_space<vmem>>, %arg10: memref<10240x64xf32, #tpu.memory_space<vmem_shared>>, %arg11: memref<10240x64xf32, #tpu.memory_space<vmem_shared>>, %arg12: memref<!tpu.dma_semaphore, #tpu.memory_space<semaphore_mem>>, %arg13: memref<!tpu.dma_semaphore, #tpu.memory_space<semaphore_mem>>) attributes {dimension_semantics = [#tpu.dimension_semantics<core_parallel>, #tpu.dimension_semantics<subcore_parallel>], iteration_bounds = array<i64: 2, 16>, scalar_prefetch = 0 : i64, scratch_operands = 8 : i64, tpu.core_type = #tpu.core_type<sc_vector_subcore>, window_params = [{transform_indices = #map}, {transform_indices = #map1}, {transform_indices = #map}, {transform_indices = #map}]} {
    %mul3A = arith.constant 2 : i32
    %mul3A_0 = arith.muli %arg1, %mul3A : i32
    %add3A = arith.addi %mul3A_0, %arg0 : i32
    %mul3A_1 = arith.constant 80 : i32
    %mul3A_2 = arith.muli %add3A, %mul3A_1 : i32
    %run_scoped3A = arith.constant 0 : i32
    "tpu.region"() ({
      %run_scoped3A_54 = tpu.sem_alloc : memref<!tpu.dma_semaphore, #tpu.memory_space<semaphore_mem>>
      %dma_start3A_55 = arith.constant 0 : i32
      %dma_start3A_56 = tpu.memref_slice %arg3[%run_scoped3A, %mul3A_2, %dma_start3A_55] : memref<2x2560x128xi32, #tpu.memory_space<hbm>> -> memref<1x80x128xi32, #tpu.memory_space<hbm>>
      %dma_start3A_57 = tpu.memref_squeeze %dma_start3A_56 : memref<1x80x128xi32, #tpu.memory_space<hbm>> -> memref<80x128xi32, #tpu.memory_space<hbm>>
      %dma_start3A_58 = arith.constant 0 : i32
      %dma_start3A_59 = tpu.memref_slice %arg3[%run_scoped3A, %mul3A_2, %dma_start3A_58] : memref<2x2560x128xi32, #tpu.memory_space<hbm>> -> memref<1x80x128xi32, #tpu.memory_space<hbm>>
      %dma_start3A_60 = tpu.memref_squeeze %dma_start3A_59 : memref<1x80x128xi32, #tpu.memory_space<hbm>> -> memref<80x128xi32, #tpu.memory_space<hbm>>
      tpu.enqueue_dma source(%dma_start3A_60 : memref<80x128xi32, #tpu.memory_space<hbm>>) target(%arg6 : memref<80x128xi32, #tpu.memory_space<vmem>>) target_semaphore(%run_scoped3A_54 : memref<!tpu.dma_semaphore, #tpu.memory_space<semaphore_mem>>)
      %dma_wait3A_61 = arith.constant 0 : i32
      %dma_wait3A_62 = tpu.memref_slice %arg3[%run_scoped3A, %mul3A_2, %dma_wait3A_61] : memref<2x2560x128xi32, #tpu.memory_space<hbm>> -> memref<1x80x128xi32, #tpu.memory_space<hbm>>
      %dma_wait3A_63 = tpu.memref_squeeze %dma_wait3A_62 : memref<1x80x128xi32, #tpu.memory_space<hbm>> -> memref<80x128xi32, #tpu.memory_space<hbm>>
      %dma_wait3A_64 = arith.constant 0 : i32
      %dma_wait3A_65 = tpu.memref_slice %arg3[%run_scoped3A, %mul3A_2, %dma_wait3A_64] : memref<2x2560x128xi32, #tpu.memory_space<hbm>> -> memref<1x80x128xi32, #tpu.memory_space<hbm>>
      %dma_wait3A_66 = tpu.memref_squeeze %dma_wait3A_65 : memref<1x80x128xi32, #tpu.memory_space<hbm>> -> memref<80x128xi32, #tpu.memory_space<hbm>>
      tpu.wait_dma2 semaphore(%run_scoped3A_54 : memref<!tpu.dma_semaphore, #tpu.memory_space<semaphore_mem>>) src(%dma_wait3A_66 : memref<80x128xi32, #tpu.memory_space<hbm>>) dst(%arg6 : memref<80x128xi32, #tpu.memory_space<vmem>>)
      tpu.yield
    }) : () -> ()
    %mul3A_3 = arith.constant 80 : i32
    %mul3A_4 = arith.muli %add3A, %mul3A_3 : i32
    %run_scoped3A_5 = arith.constant 1 : i32
    "tpu.region"() ({
      %run_scoped3A_54 = tpu.sem_alloc : memref<!tpu.dma_semaphore, #tpu.memory_space<semaphore_mem>>
      %dma_start3A_55 = arith.constant 0 : i32
      %dma_start3A_56 = tpu.memref_slice %arg3[%run_scoped3A_5, %mul3A_4, %dma_start3A_55] : memref<2x2560x128xi32, #tpu.memory_space<hbm>> -> memref<1x80x128xi32, #tpu.memory_space<hbm>>
      %dma_start3A_57 = tpu.memref_squeeze %dma_start3A_56 : memref<1x80x128xi32, #tpu.memory_space<hbm>> -> memref<80x128xi32, #tpu.memory_space<hbm>>
      %dma_start3A_58 = arith.constant 0 : i32
      %dma_start3A_59 = tpu.memref_slice %arg3[%run_scoped3A_5, %mul3A_4, %dma_start3A_58] : memref<2x2560x128xi32, #tpu.memory_space<hbm>> -> memref<1x80x128xi32, #tpu.memory_space<hbm>>
      %dma_start3A_60 = tpu.memref_squeeze %dma_start3A_59 : memref<1x80x128xi32, #tpu.memory_space<hbm>> -> memref<80x128xi32, #tpu.memory_space<hbm>>
      tpu.enqueue_dma source(%dma_start3A_60 : memref<80x128xi32, #tpu.memory_space<hbm>>) target(%arg7 : memref<80x128xi32, #tpu.memory_space<vmem>>) target_semaphore(%run_scoped3A_54 : memref<!tpu.dma_semaphore, #tpu.memory_space<semaphore_mem>>)
      %dma_wait3A_61 = arith.constant 0 : i32
      %dma_wait3A_62 = tpu.memref_slice %arg3[%run_scoped3A_5, %mul3A_4, %dma_wait3A_61] : memref<2x2560x128xi32, #tpu.memory_space<hbm>> -> memref<1x80x128xi32, #tpu.memory_space<hbm>>
      %dma_wait3A_63 = tpu.memref_squeeze %dma_wait3A_62 : memref<1x80x128xi32, #tpu.memory_space<hbm>> -> memref<80x128xi32, #tpu.memory_space<hbm>>
      %dma_wait3A_64 = arith.constant 0 : i32
      %dma_wait3A_65 = tpu.memref_slice %arg3[%run_scoped3A_5, %mul3A_4, %dma_wait3A_64] : memref<2x2560x128xi32, #tpu.memory_space<hbm>> -> memref<1x80x128xi32, #tpu.memory_space<hbm>>
      %dma_wait3A_66 = tpu.memref_squeeze %dma_wait3A_65 : memref<1x80x128xi32, #tpu.memory_space<hbm>> -> memref<80x128xi32, #tpu.memory_space<hbm>>
      tpu.wait_dma2 semaphore(%run_scoped3A_54 : memref<!tpu.dma_semaphore, #tpu.memory_space<semaphore_mem>>) src(%dma_wait3A_66 : memref<80x128xi32, #tpu.memory_space<hbm>>) dst(%arg7 : memref<80x128xi32, #tpu.memory_space<vmem>>)
      tpu.yield
    }) : () -> ()
    %mul3A_6 = arith.constant 640 : i32
    %mul3A_7 = arith.muli %arg1, %mul3A_6 : i32
    %mul3A_8 = arith.constant 640 : i32
    %mul3A_9 = arith.muli %arg1, %mul3A_8 : i32
    "tpu.region"() ({
      %run_scoped3A_54 = tpu.sem_alloc : memref<!tpu.dma_semaphore, #tpu.memory_space<semaphore_mem>>
      %dma_start3A_55 = arith.constant 0 : i32
      %dma_start3A_56 = tpu.memref_slice %arg10[%mul3A_9, %dma_start3A_55] : memref<10240x64xf32, #tpu.memory_space<vmem_shared>> -> memref<640x64xf32, #tpu.memory_space<vmem_shared>>
      %dma_start3A_57 = arith.constant 0 : i32
      %dma_start3A_58 = tpu.memref_slice %arg4[%mul3A_7, %dma_start3A_57] : memref<10240x64xf32, #tpu.memory_space<hbm>> -> memref<640x64xf32, #tpu.memory_space<hbm>>
      tpu.enqueue_dma source(%dma_start3A_58 : memref<640x64xf32, #tpu.memory_space<hbm>>) target(%dma_start3A_56 : memref<640x64xf32, #tpu.memory_space<vmem_shared>>) target_semaphore(%run_scoped3A_54 : memref<!tpu.dma_semaphore, #tpu.memory_space<semaphore_mem>>)
      %dma_wait3A_59 = arith.constant 0 : i32
      %dma_wait3A_60 = tpu.memref_slice %arg10[%mul3A_9, %dma_wait3A_59] : memref<10240x64xf32, #tpu.memory_space<vmem_shared>> -> memref<640x64xf32, #tpu.memory_space<vmem_shared>>
      %dma_wait3A_61 = arith.constant 0 : i32
      %dma_wait3A_62 = tpu.memref_slice %arg4[%mul3A_7, %dma_wait3A_61] : memref<10240x64xf32, #tpu.memory_space<hbm>> -> memref<640x64xf32, #tpu.memory_space<hbm>>
      tpu.wait_dma2 semaphore(%run_scoped3A_54 : memref<!tpu.dma_semaphore, #tpu.memory_space<semaphore_mem>>) src(%dma_wait3A_62 : memref<640x64xf32, #tpu.memory_space<hbm>>) dst(%dma_wait3A_60 : memref<640x64xf32, #tpu.memory_space<vmem_shared>>)
      tpu.yield
    }) : () -> ()
    %mul3A_10 = arith.constant 640 : i32
    %mul3A_11 = arith.muli %arg1, %mul3A_10 : i32
    %mul3A_12 = arith.constant 640 : i32
    %mul3A_13 = arith.muli %arg1, %mul3A_12 : i32
    "tpu.region"() ({
      %run_scoped3A_54 = tpu.sem_alloc : memref<!tpu.dma_semaphore, #tpu.memory_space<semaphore_mem>>
      %dma_start3A_55 = arith.constant 0 : i32
      %dma_start3A_56 = tpu.memref_slice %arg11[%mul3A_13, %dma_start3A_55] : memref<10240x64xf32, #tpu.memory_space<vmem_shared>> -> memref<640x64xf32, #tpu.memory_space<vmem_shared>>
      %dma_start3A_57 = arith.constant 0 : i32
      %dma_start3A_58 = tpu.memref_slice %arg2[%mul3A_11, %dma_start3A_57] : memref<10240x64xf32, #tpu.memory_space<hbm>> -> memref<640x64xf32, #tpu.memory_space<hbm>>
      tpu.enqueue_dma source(%dma_start3A_58 : memref<640x64xf32, #tpu.memory_space<hbm>>) target(%dma_start3A_56 : memref<640x64xf32, #tpu.memory_space<vmem_shared>>) target_semaphore(%run_scoped3A_54 : memref<!tpu.dma_semaphore, #tpu.memory_space<semaphore_mem>>)
      %dma_wait3A_59 = arith.constant 0 : i32
      %dma_wait3A_60 = tpu.memref_slice %arg11[%mul3A_13, %dma_wait3A_59] : memref<10240x64xf32, #tpu.memory_space<vmem_shared>> -> memref<640x64xf32, #tpu.memory_space<vmem_shared>>
      %dma_wait3A_61 = arith.constant 0 : i32
      %dma_wait3A_62 = tpu.memref_slice %arg2[%mul3A_11, %dma_wait3A_61] : memref<10240x64xf32, #tpu.memory_space<hbm>> -> memref<640x64xf32, #tpu.memory_space<hbm>>
      tpu.wait_dma2 semaphore(%run_scoped3A_54 : memref<!tpu.dma_semaphore, #tpu.memory_space<semaphore_mem>>) src(%dma_wait3A_62 : memref<640x64xf32, #tpu.memory_space<hbm>>) dst(%dma_wait3A_60 : memref<640x64xf32, #tpu.memory_space<vmem_shared>>)
      tpu.yield
    }) : () -> ()
    %barrier3A = arith.constant 0 : index
    tpu.barrier barrier_id(%barrier3A)
    %dma_start3A = arith.constant 0 : i32
    %dma_start3A_14 = arith.constant 0 : i32
    %dma_start3A_15 = tpu.memref_slice %arg6[%dma_start3A, %dma_start3A_14] : memref<80x128xi32, #tpu.memory_space<vmem>> -> memref<1x128xi32, #tpu.memory_space<vmem>>
    %dma_start3A_16 = tpu.memref_squeeze %dma_start3A_15 : memref<1x128xi32, #tpu.memory_space<vmem>> -> memref<128xi32, #tpu.memory_space<vmem>>
    %dma_start3A_17 = arith.constant 0 : i32
    %dma_start3A_18 = arith.constant 0 : i32
    %dma_start3A_19 = tpu.memref_slice %arg11[%dma_start3A_17, %dma_start3A_18] : memref<10240x64xf32, #tpu.memory_space<vmem_shared>> -> memref<10240x64xf32, #tpu.memory_space<vmem_shared>>
    tpu.enqueue_indirect_dma source(%dma_start3A_19 : memref<10240x64xf32, #tpu.memory_space<vmem_shared>>) target(%arg8 : memref<128x64xf32, #tpu.memory_space<vmem>>) offsets(%dma_start3A_16 : memref<128xi32, #tpu.memory_space<vmem>>) semaphore(%arg12 : memref<!tpu.dma_semaphore, #tpu.memory_space<semaphore_mem>>)
    %dma_start3A_20 = arith.constant 1 : i32
    %dma_start3A_21 = arith.constant 0 : i32
    %dma_start3A_22 = tpu.memref_slice %arg6[%dma_start3A_20, %dma_start3A_21] : memref<80x128xi32, #tpu.memory_space<vmem>> -> memref<1x128xi32, #tpu.memory_space<vmem>>
    %dma_start3A_23 = tpu.memref_squeeze %dma_start3A_22 : memref<1x128xi32, #tpu.memory_space<vmem>> -> memref<128xi32, #tpu.memory_space<vmem>>
    %dma_start3A_24 = arith.constant 0 : i32
    %dma_start3A_25 = arith.constant 0 : i32
    %dma_start3A_26 = tpu.memref_slice %arg11[%dma_start3A_24, %dma_start3A_25] : memref<10240x64xf32, #tpu.memory_space<vmem_shared>> -> memref<10240x64xf32, #tpu.memory_space<vmem_shared>>
    tpu.enqueue_indirect_dma source(%dma_start3A_26 : memref<10240x64xf32, #tpu.memory_space<vmem_shared>>) target(%arg9 : memref<128x64xf32, #tpu.memory_space<vmem>>) offsets(%dma_start3A_23 : memref<128xi32, #tpu.memory_space<vmem>>) semaphore(%arg13 : memref<!tpu.dma_semaphore, #tpu.memory_space<semaphore_mem>>)
    %scan3A = arith.constant 0 : i32
    %scan3A_27 = arith.constant 0 : i32
    %scan3A_28 = arith.constant 39 : i32
    %scan3A_29 = arith.addi %scan3A_27, %scan3A_28 : i32
    %scan3A_30 = arith.constant 1 : i32
    scf.for %scan3A_54 = %scan3A_27 to %scan3A_29 step %scan3A_30  : i32 {
      %mul3A_55 = arith.constant 2 : i32
      %mul3A_56 = arith.muli %mul3A_55, %scan3A_54 : i32
      %dma_wait3A_57 = arith.constant 0 : i32
      %dma_wait3A_58 = arith.constant 0 : i32
      %dma_wait3A_59 = tpu.memref_slice %arg6[%dma_wait3A_57, %dma_wait3A_58] : memref<80x128xi32, #tpu.memory_space<vmem>> -> memref<1x128xi32, #tpu.memory_space<vmem>>
      %dma_wait3A_60 = tpu.memref_squeeze %dma_wait3A_59 : memref<1x128xi32, #tpu.memory_space<vmem>> -> memref<128xi32, #tpu.memory_space<vmem>>
      %dma_wait3A_61 = arith.constant 0 : i32
      %dma_wait3A_62 = arith.constant 0 : i32
      %dma_wait3A_63 = tpu.memref_slice %arg11[%dma_wait3A_61, %dma_wait3A_62] : memref<10240x64xf32, #tpu.memory_space<vmem_shared>> -> memref<10240x64xf32, #tpu.memory_space<vmem_shared>>
      tpu.wait_indirect_dma semaphore(%arg12 : memref<!tpu.dma_semaphore, #tpu.memory_space<semaphore_mem>>) src(%dma_wait3A_63 : memref<10240x64xf32, #tpu.memory_space<vmem_shared>>) dst(%arg8 : memref<128x64xf32, #tpu.memory_space<vmem>>)
      "tpu.region"() ({
        %run_scoped3A_89 = tpu.sem_alloc : memref<!tpu.dma_semaphore, #tpu.memory_space<semaphore_mem>>
        %dma_start3A_90 = arith.constant 0 : i32
        %dma_start3A_91 = tpu.memref_slice %arg7[%mul3A_56, %dma_start3A_90] : memref<80x128xi32, #tpu.memory_space<vmem>> -> memref<1x128xi32, #tpu.memory_space<vmem>>
        %dma_start3A_92 = tpu.memref_squeeze %dma_start3A_91 : memref<1x128xi32, #tpu.memory_space<vmem>> -> memref<128xi32, #tpu.memory_space<vmem>>
        %dma_start3A_93 = arith.constant 0 : i32
        %dma_start3A_94 = arith.constant 0 : i32
        %dma_start3A_95 = tpu.memref_slice %arg10[%dma_start3A_93, %dma_start3A_94] : memref<10240x64xf32, #tpu.memory_space<vmem_shared>> -> memref<10240x64xf32, #tpu.memory_space<vmem_shared>>
        tpu.enqueue_indirect_dma source(%arg8 : memref<128x64xf32, #tpu.memory_space<vmem>>) target(%dma_start3A_95 : memref<10240x64xf32, #tpu.memory_space<vmem_shared>>) offsets(%dma_start3A_92 : memref<128xi32, #tpu.memory_space<vmem>>) semaphore(%run_scoped3A_89 : memref<!tpu.dma_semaphore, #tpu.memory_space<semaphore_mem>>) {add = true}
        %dma_wait3A_96 = arith.constant 0 : i32
        %dma_wait3A_97 = tpu.memref_slice %arg7[%mul3A_56, %dma_wait3A_96] : memref<80x128xi32, #tpu.memory_space<vmem>> -> memref<1x128xi32, #tpu.memory_space<vmem>>
        %dma_wait3A_98 = tpu.memref_squeeze %dma_wait3A_97 : memref<1x128xi32, #tpu.memory_space<vmem>> -> memref<128xi32, #tpu.memory_space<vmem>>
        %dma_wait3A_99 = arith.constant 0 : i32
        %dma_wait3A_100 = arith.constant 0 : i32
        %dma_wait3A_101 = tpu.memref_slice %arg10[%dma_wait3A_99, %dma_wait3A_100] : memref<10240x64xf32, #tpu.memory_space<vmem_shared>> -> memref<10240x64xf32, #tpu.memory_space<vmem_shared>>
        tpu.wait_indirect_dma semaphore(%run_scoped3A_89 : memref<!tpu.dma_semaphore, #tpu.memory_space<semaphore_mem>>) src(%arg8 : memref<128x64xf32, #tpu.memory_space<vmem>>) dst(%dma_wait3A_101 : memref<10240x64xf32, #tpu.memory_space<vmem_shared>>)
        tpu.yield
      }) : () -> ()
      %add3A_64 = arith.constant 2 : i32
      %add3A_65 = arith.addi %mul3A_56, %add3A_64 : i32
      %dma_start3A_66 = arith.constant 0 : i32
      %dma_start3A_67 = tpu.memref_slice %arg6[%add3A_65, %dma_start3A_66] : memref<80x128xi32, #tpu.memory_space<vmem>> -> memref<1x128xi32, #tpu.memory_space<vmem>>
      %dma_start3A_68 = tpu.memref_squeeze %dma_start3A_67 : memref<1x128xi32, #tpu.memory_space<vmem>> -> memref<128xi32, #tpu.memory_space<vmem>>
      %dma_start3A_69 = arith.constant 0 : i32
      %dma_start3A_70 = arith.constant 0 : i32
      %dma_start3A_71 = tpu.memref_slice %arg11[%dma_start3A_69, %dma_start3A_70] : memref<10240x64xf32, #tpu.memory_space<vmem_shared>> -> memref<10240x64xf32, #tpu.memory_space<vmem_shared>>
      tpu.enqueue_indirect_dma source(%dma_start3A_71 : memref<10240x64xf32, #tpu.memory_space<vmem_shared>>) target(%arg8 : memref<128x64xf32, #tpu.memory_space<vmem>>) offsets(%dma_start3A_68 : memref<128xi32, #tpu.memory_space<vmem>>) semaphore(%arg12 : memref<!tpu.dma_semaphore, #tpu.memory_space<semaphore_mem>>)
      %dma_wait3A_72 = arith.constant 0 : i32
      %dma_wait3A_73 = arith.constant 0 : i32
      %dma_wait3A_74 = tpu.memref_slice %arg6[%dma_wait3A_72, %dma_wait3A_73] : memref<80x128xi32, #tpu.memory_space<vmem>> -> memref<1x128xi32, #tpu.memory_space<vmem>>
      %dma_wait3A_75 = tpu.memref_squeeze %dma_wait3A_74 : memref<1x128xi32, #tpu.memory_space<vmem>> -> memref<128xi32, #tpu.memory_space<vmem>>
      %dma_wait3A_76 = arith.constant 0 : i32
      %dma_wait3A_77 = arith.constant 0 : i32
      %dma_wait3A_78 = tpu.memref_slice %arg11[%dma_wait3A_76, %dma_wait3A_77] : memref<10240x64xf32, #tpu.memory_space<vmem_shared>> -> memref<10240x64xf32, #tpu.memory_space<vmem_shared>>
      tpu.wait_indirect_dma semaphore(%arg13 : memref<!tpu.dma_semaphore, #tpu.memory_space<semaphore_mem>>) src(%dma_wait3A_78 : memref<10240x64xf32, #tpu.memory_space<vmem_shared>>) dst(%arg9 : memref<128x64xf32, #tpu.memory_space<vmem>>)
      %add3A_79 = arith.constant 1 : i32
      %add3A_80 = arith.addi %mul3A_56, %add3A_79 : i32
      "tpu.region"() ({
        %run_scoped3A_89 = tpu.sem_alloc : memref<!tpu.dma_semaphore, #tpu.memory_space<semaphore_mem>>
        %dma_start3A_90 = arith.constant 0 : i32
        %dma_start3A_91 = tpu.memref_slice %arg7[%add3A_80, %dma_start3A_90] : memref<80x128xi32, #tpu.memory_space<vmem>> -> memref<1x128xi32, #tpu.memory_space<vmem>>
        %dma_start3A_92 = tpu.memref_squeeze %dma_start3A_91 : memref<1x128xi32, #tpu.memory_space<vmem>> -> memref<128xi32, #tpu.memory_space<vmem>>
        %dma_start3A_93 = arith.constant 0 : i32
        %dma_start3A_94 = arith.constant 0 : i32
        %dma_start3A_95 = tpu.memref_slice %arg10[%dma_start3A_93, %dma_start3A_94] : memref<10240x64xf32, #tpu.memory_space<vmem_shared>> -> memref<10240x64xf32, #tpu.memory_space<vmem_shared>>
        tpu.enqueue_indirect_dma source(%arg9 : memref<128x64xf32, #tpu.memory_space<vmem>>) target(%dma_start3A_95 : memref<10240x64xf32, #tpu.memory_space<vmem_shared>>) offsets(%dma_start3A_92 : memref<128xi32, #tpu.memory_space<vmem>>) semaphore(%run_scoped3A_89 : memref<!tpu.dma_semaphore, #tpu.memory_space<semaphore_mem>>) {add = true}
        %dma_wait3A_96 = arith.constant 0 : i32
        %dma_wait3A_97 = tpu.memref_slice %arg7[%add3A_80, %dma_wait3A_96] : memref<80x128xi32, #tpu.memory_space<vmem>> -> memref<1x128xi32, #tpu.memory_space<vmem>>
        %dma_wait3A_98 = tpu.memref_squeeze %dma_wait3A_97 : memref<1x128xi32, #tpu.memory_space<vmem>> -> memref<128xi32, #tpu.memory_space<vmem>>
        %dma_wait3A_99 = arith.constant 0 : i32
        %dma_wait3A_100 = arith.constant 0 : i32
        %dma_wait3A_101 = tpu.memref_slice %arg10[%dma_wait3A_99, %dma_wait3A_100] : memref<10240x64xf32, #tpu.memory_space<vmem_shared>> -> memref<10240x64xf32, #tpu.memory_space<vmem_shared>>
        tpu.wait_indirect_dma semaphore(%run_scoped3A_89 : memref<!tpu.dma_semaphore, #tpu.memory_space<semaphore_mem>>) src(%arg9 : memref<128x64xf32, #tpu.memory_space<vmem>>) dst(%dma_wait3A_101 : memref<10240x64xf32, #tpu.memory_space<vmem_shared>>)
        tpu.yield
      }) : () -> ()
      %add3A_81 = arith.constant 3 : i32
      %add3A_82 = arith.addi %mul3A_56, %add3A_81 : i32
      %dma_start3A_83 = arith.constant 0 : i32
      %dma_start3A_84 = tpu.memref_slice %arg6[%add3A_82, %dma_start3A_83] : memref<80x128xi32, #tpu.memory_space<vmem>> -> memref<1x128xi32, #tpu.memory_space<vmem>>
      %dma_start3A_85 = tpu.memref_squeeze %dma_start3A_84 : memref<1x128xi32, #tpu.memory_space<vmem>> -> memref<128xi32, #tpu.memory_space<vmem>>
      %dma_start3A_86 = arith.constant 0 : i32
      %dma_start3A_87 = arith.constant 0 : i32
      %dma_start3A_88 = tpu.memref_slice %arg11[%dma_start3A_86, %dma_start3A_87] : memref<10240x64xf32, #tpu.memory_space<vmem_shared>> -> memref<10240x64xf32, #tpu.memory_space<vmem_shared>>
      tpu.enqueue_indirect_dma source(%dma_start3A_88 : memref<10240x64xf32, #tpu.memory_space<vmem_shared>>) target(%arg9 : memref<128x64xf32, #tpu.memory_space<vmem>>) offsets(%dma_start3A_85 : memref<128xi32, #tpu.memory_space<vmem>>) semaphore(%arg13 : memref<!tpu.dma_semaphore, #tpu.memory_space<semaphore_mem>>)
    }
    %scan3A_31 = arith.constant 39 : i32
    %dma_wait3A = arith.constant 0 : i32
    %dma_wait3A_32 = arith.constant 0 : i32
    %dma_wait3A_33 = tpu.memref_slice %arg6[%dma_wait3A, %dma_wait3A_32] : memref<80x128xi32, #tpu.memory_space<vmem>> -> memref<1x128xi32, #tpu.memory_space<vmem>>
    %dma_wait3A_34 = tpu.memref_squeeze %dma_wait3A_33 : memref<1x128xi32, #tpu.memory_space<vmem>> -> memref<128xi32, #tpu.memory_space<vmem>>
    %dma_wait3A_35 = arith.constant 0 : i32
    %dma_wait3A_36 = arith.constant 0 : i32
    %dma_wait3A_37 = tpu.memref_slice %arg11[%dma_wait3A_35, %dma_wait3A_36] : memref<10240x64xf32, #tpu.memory_space<vmem_shared>> -> memref<10240x64xf32, #tpu.memory_space<vmem_shared>>
    tpu.wait_indirect_dma semaphore(%arg12 : memref<!tpu.dma_semaphore, #tpu.memory_space<semaphore_mem>>) src(%dma_wait3A_37 : memref<10240x64xf32, #tpu.memory_space<vmem_shared>>) dst(%arg8 : memref<128x64xf32, #tpu.memory_space<vmem>>)
    %run_scoped3A_38 = arith.constant 78 : i32
    "tpu.region"() ({
      %run_scoped3A_54 = tpu.sem_alloc : memref<!tpu.dma_semaphore, #tpu.memory_space<semaphore_mem>>
      %dma_start3A_55 = arith.constant 0 : i32
      %dma_start3A_56 = tpu.memref_slice %arg7[%run_scoped3A_38, %dma_start3A_55] : memref<80x128xi32, #tpu.memory_space<vmem>> -> memref<1x128xi32, #tpu.memory_space<vmem>>
      %dma_start3A_57 = tpu.memref_squeeze %dma_start3A_56 : memref<1x128xi32, #tpu.memory_space<vmem>> -> memref<128xi32, #tpu.memory_space<vmem>>
      %dma_start3A_58 = arith.constant 0 : i32
      %dma_start3A_59 = arith.constant 0 : i32
      %dma_start3A_60 = tpu.memref_slice %arg10[%dma_start3A_58, %dma_start3A_59] : memref<10240x64xf32, #tpu.memory_space<vmem_shared>> -> memref<10240x64xf32, #tpu.memory_space<vmem_shared>>
      tpu.enqueue_indirect_dma source(%arg8 : memref<128x64xf32, #tpu.memory_space<vmem>>) target(%dma_start3A_60 : memref<10240x64xf32, #tpu.memory_space<vmem_shared>>) offsets(%dma_start3A_57 : memref<128xi32, #tpu.memory_space<vmem>>) semaphore(%run_scoped3A_54 : memref<!tpu.dma_semaphore, #tpu.memory_space<semaphore_mem>>) {add = true}
      %dma_wait3A_61 = arith.constant 0 : i32
      %dma_wait3A_62 = tpu.memref_slice %arg7[%run_scoped3A_38, %dma_wait3A_61] : memref<80x128xi32, #tpu.memory_space<vmem>> -> memref<1x128xi32, #tpu.memory_space<vmem>>
      %dma_wait3A_63 = tpu.memref_squeeze %dma_wait3A_62 : memref<1x128xi32, #tpu.memory_space<vmem>> -> memref<128xi32, #tpu.memory_space<vmem>>
      %dma_wait3A_64 = arith.constant 0 : i32
      %dma_wait3A_65 = arith.constant 0 : i32
      %dma_wait3A_66 = tpu.memref_slice %arg10[%dma_wait3A_64, %dma_wait3A_65] : memref<10240x64xf32, #tpu.memory_space<vmem_shared>> -> memref<10240x64xf32, #tpu.memory_space<vmem_shared>>
      tpu.wait_indirect_dma semaphore(%run_scoped3A_54 : memref<!tpu.dma_semaphore, #tpu.memory_space<semaphore_mem>>) src(%arg8 : memref<128x64xf32, #tpu.memory_space<vmem>>) dst(%dma_wait3A_66 : memref<10240x64xf32, #tpu.memory_space<vmem_shared>>)
      tpu.yield
    }) : () -> ()
    %dma_wait3A_39 = arith.constant 0 : i32
    %dma_wait3A_40 = arith.constant 0 : i32
    %dma_wait3A_41 = tpu.memref_slice %arg6[%dma_wait3A_39, %dma_wait3A_40] : memref<80x128xi32, #tpu.memory_space<vmem>> -> memref<1x128xi32, #tpu.memory_space<vmem>>
    %dma_wait3A_42 = tpu.memref_squeeze %dma_wait3A_41 : memref<1x128xi32, #tpu.memory_space<vmem>> -> memref<128xi32, #tpu.memory_space<vmem>>
    %dma_wait3A_43 = arith.constant 0 : i32
    %dma_wait3A_44 = arith.constant 0 : i32
    %dma_wait3A_45 = tpu.memref_slice %arg11[%dma_wait3A_43, %dma_wait3A_44] : memref<10240x64xf32, #tpu.memory_space<vmem_shared>> -> memref<10240x64xf32, #tpu.memory_space<vmem_shared>>
    tpu.wait_indirect_dma semaphore(%arg13 : memref<!tpu.dma_semaphore, #tpu.memory_space<semaphore_mem>>) src(%dma_wait3A_45 : memref<10240x64xf32, #tpu.memory_space<vmem_shared>>) dst(%arg9 : memref<128x64xf32, #tpu.memory_space<vmem>>)
    %run_scoped3A_46 = arith.constant 79 : i32
    "tpu.region"() ({
      %run_scoped3A_54 = tpu.sem_alloc : memref<!tpu.dma_semaphore, #tpu.memory_space<semaphore_mem>>
      %dma_start3A_55 = arith.constant 0 : i32
      %dma_start3A_56 = tpu.memref_slice %arg7[%run_scoped3A_46, %dma_start3A_55] : memref<80x128xi32, #tpu.memory_space<vmem>> -> memref<1x128xi32, #tpu.memory_space<vmem>>
      %dma_start3A_57 = tpu.memref_squeeze %dma_start3A_56 : memref<1x128xi32, #tpu.memory_space<vmem>> -> memref<128xi32, #tpu.memory_space<vmem>>
      %dma_start3A_58 = arith.constant 0 : i32
      %dma_start3A_59 = arith.constant 0 : i32
      %dma_start3A_60 = tpu.memref_slice %arg10[%dma_start3A_58, %dma_start3A_59] : memref<10240x64xf32, #tpu.memory_space<vmem_shared>> -> memref<10240x64xf32, #tpu.memory_space<vmem_shared>>
      tpu.enqueue_indirect_dma source(%arg9 : memref<128x64xf32, #tpu.memory_space<vmem>>) target(%dma_start3A_60 : memref<10240x64xf32, #tpu.memory_space<vmem_shared>>) offsets(%dma_start3A_57 : memref<128xi32, #tpu.memory_space<vmem>>) semaphore(%run_scoped3A_54 : memref<!tpu.dma_semaphore, #tpu.memory_space<semaphore_mem>>) {add = true}
      %dma_wait3A_61 = arith.constant 0 : i32
      %dma_wait3A_62 = tpu.memref_slice %arg7[%run_scoped3A_46, %dma_wait3A_61] : memref<80x128xi32, #tpu.memory_space<vmem>> -> memref<1x128xi32, #tpu.memory_space<vmem>>
      %dma_wait3A_63 = tpu.memref_squeeze %dma_wait3A_62 : memref<1x128xi32, #tpu.memory_space<vmem>> -> memref<128xi32, #tpu.memory_space<vmem>>
      %dma_wait3A_64 = arith.constant 0 : i32
      %dma_wait3A_65 = arith.constant 0 : i32
      %dma_wait3A_66 = tpu.memref_slice %arg10[%dma_wait3A_64, %dma_wait3A_65] : memref<10240x64xf32, #tpu.memory_space<vmem_shared>> -> memref<10240x64xf32, #tpu.memory_space<vmem_shared>>
      tpu.wait_indirect_dma semaphore(%run_scoped3A_54 : memref<!tpu.dma_semaphore, #tpu.memory_space<semaphore_mem>>) src(%arg9 : memref<128x64xf32, #tpu.memory_space<vmem>>) dst(%dma_wait3A_66 : memref<10240x64xf32, #tpu.memory_space<vmem_shared>>)
      tpu.yield
    }) : () -> ()
    %barrier3A_47 = arith.constant 0 : index
    tpu.barrier barrier_id(%barrier3A_47)
    %mul3A_48 = arith.constant 640 : i32
    %mul3A_49 = arith.muli %arg1, %mul3A_48 : i32
    %mul3A_50 = arith.constant 640 : i32
    %mul3A_51 = arith.muli %arg1, %mul3A_50 : i32
    %mul3A_52 = arith.constant 64 : i32
    %mul3A_53 = arith.muli %arg0, %mul3A_52 : i32
    "tpu.region"() ({
      %run_scoped3A_54 = tpu.sem_alloc : memref<!tpu.dma_semaphore, #tpu.memory_space<semaphore_mem>>
      %dma_start3A_55 = tpu.memref_slice %arg5[%mul3A_51, %mul3A_53] : memref<10240x128xf32, #tpu.memory_space<hbm>> -> memref<640x64xf32, #tpu.memory_space<hbm>>
      %dma_start3A_56 = arith.constant 0 : i32
      %dma_start3A_57 = tpu.memref_slice %arg10[%mul3A_49, %dma_start3A_56] : memref<10240x64xf32, #tpu.memory_space<vmem_shared>> -> memref<640x64xf32, #tpu.memory_space<vmem_shared>>
      tpu.enqueue_dma source(%dma_start3A_57 : memref<640x64xf32, #tpu.memory_space<vmem_shared>>) target(%dma_start3A_55 : memref<640x64xf32, #tpu.memory_space<hbm>>) target_semaphore(%run_scoped3A_54 : memref<!tpu.dma_semaphore, #tpu.memory_space<semaphore_mem>>)
      %dma_wait3A_58 = tpu.memref_slice %arg5[%mul3A_51, %mul3A_53] : memref<10240x128xf32, #tpu.memory_space<hbm>> -> memref<640x64xf32, #tpu.memory_space<hbm>>
      %dma_wait3A_59 = arith.constant 0 : i32
      %dma_wait3A_60 = tpu.memref_slice %arg10[%mul3A_49, %dma_wait3A_59] : memref<10240x64xf32, #tpu.memory_space<vmem_shared>> -> memref<640x64xf32, #tpu.memory_space<vmem_shared>>
      tpu.wait_dma2 semaphore(%run_scoped3A_54 : memref<!tpu.dma_semaphore, #tpu.memory_space<semaphore_mem>>) src(%dma_wait3A_60 : memref<640x64xf32, #tpu.memory_space<vmem_shared>>) dst(%dma_wait3A_58 : memref<640x64xf32, #tpu.memory_space<hbm>>)
      tpu.yield
    }) : () -> ()
    return
  }
}

#map = affine_map<(d0, d1) -> (0, 0)>
#map1 = affine_map<(d0, d1) -> (0, 0, 0)>
module attributes {stable_mosaic.version = 14 : i64} {
  func.func @_agg_sc(%arg0: i32, %arg1: i32, %arg2: memref<10240x64xf32, #tpu.memory_space<hbm>>, %arg3: memref<2x2560x128xi32, #tpu.memory_space<hbm>>, %arg4: memref<10240x64xf32, #tpu.memory_space<hbm>>, %arg5: memref<10240x128xf32, #tpu.memory_space<hbm>>, %arg6: memref<80x128xi32, #tpu.memory_space<vmem>>, %arg7: memref<80x128xi32, #tpu.memory_space<vmem>>, %arg8: memref<128x64xf32, #tpu.memory_space<vmem>>, %arg9: memref<128x64xf32, #tpu.memory_space<vmem>>, %arg10: memref<10240x64xf32, #tpu.memory_space<vmem_shared>>, %arg11: memref<10240x64xf32, #tpu.memory_space<vmem_shared>>, %arg12: memref<!tpu.dma_semaphore, #tpu.memory_space<semaphore_mem>>, %arg13: memref<!tpu.dma_semaphore, #tpu.memory_space<semaphore_mem>>) attributes {dimension_semantics = [#tpu.dimension_semantics<core_parallel>, #tpu.dimension_semantics<subcore_parallel>], iteration_bounds = array<i64: 2, 16>, scalar_prefetch = 0 : i64, scratch_operands = 8 : i64, tpu.core_type = #tpu.core_type<sc_vector_subcore>, window_params = [{transform_indices = #map}, {transform_indices = #map1}, {transform_indices = #map}, {transform_indices = #map}]} {
    %mul3A = arith.constant 2 : i32
    %mul3A_0 = arith.muli %arg1, %mul3A : i32
    %add3A = arith.addi %mul3A_0, %arg0 : i32
    %mul3A_1 = arith.constant 80 : i32
    %mul3A_2 = arith.muli %add3A, %mul3A_1 : i32
    %run_scoped3A = arith.constant 0 : i32
    "tpu.region"() ({
      %run_scoped3A_54 = tpu.sem_alloc : memref<!tpu.dma_semaphore, #tpu.memory_space<semaphore_mem>>
      %dma_start3A_55 = arith.constant 0 : i32
      %dma_start3A_56 = tpu.memref_slice %arg3[%run_scoped3A, %mul3A_2, %dma_start3A_55] : memref<2x2560x128xi32, #tpu.memory_space<hbm>> -> memref<1x80x128xi32, #tpu.memory_space<hbm>>
      %dma_start3A_57 = tpu.memref_squeeze %dma_start3A_56 : memref<1x80x128xi32, #tpu.memory_space<hbm>> -> memref<80x128xi32, #tpu.memory_space<hbm>>
      %dma_start3A_58 = arith.constant 0 : i32
      %dma_start3A_59 = tpu.memref_slice %arg3[%run_scoped3A, %mul3A_2, %dma_start3A_58] : memref<2x2560x128xi32, #tpu.memory_space<hbm>> -> memref<1x80x128xi32, #tpu.memory_space<hbm>>
      %dma_start3A_60 = tpu.memref_squeeze %dma_start3A_59 : memref<1x80x128xi32, #tpu.memory_space<hbm>> -> memref<80x128xi32, #tpu.memory_space<hbm>>
      tpu.enqueue_dma source(%dma_start3A_60 : memref<80x128xi32, #tpu.memory_space<hbm>>) target(%arg6 : memref<80x128xi32, #tpu.memory_space<vmem>>) target_semaphore(%run_scoped3A_54 : memref<!tpu.dma_semaphore, #tpu.memory_space<semaphore_mem>>)
      %dma_wait3A_61 = arith.constant 0 : i32
      %dma_wait3A_62 = tpu.memref_slice %arg3[%run_scoped3A, %mul3A_2, %dma_wait3A_61] : memref<2x2560x128xi32, #tpu.memory_space<hbm>> -> memref<1x80x128xi32, #tpu.memory_space<hbm>>
      %dma_wait3A_63 = tpu.memref_squeeze %dma_wait3A_62 : memref<1x80x128xi32, #tpu.memory_space<hbm>> -> memref<80x128xi32, #tpu.memory_space<hbm>>
      %dma_wait3A_64 = arith.constant 0 : i32
      %dma_wait3A_65 = tpu.memref_slice %arg3[%run_scoped3A, %mul3A_2, %dma_wait3A_64] : memref<2x2560x128xi32, #tpu.memory_space<hbm>> -> memref<1x80x128xi32, #tpu.memory_space<hbm>>
      %dma_wait3A_66 = tpu.memref_squeeze %dma_wait3A_65 : memref<1x80x128xi32, #tpu.memory_space<hbm>> -> memref<80x128xi32, #tpu.memory_space<hbm>>
      tpu.wait_dma2 semaphore(%run_scoped3A_54 : memref<!tpu.dma_semaphore, #tpu.memory_space<semaphore_mem>>) src(%dma_wait3A_66 : memref<80x128xi32, #tpu.memory_space<hbm>>) dst(%arg6 : memref<80x128xi32, #tpu.memory_space<vmem>>)
      tpu.yield
    }) : () -> ()
    %mul3A_3 = arith.constant 80 : i32
    %mul3A_4 = arith.muli %add3A, %mul3A_3 : i32
    %run_scoped3A_5 = arith.constant 1 : i32
    "tpu.region"() ({
      %run_scoped3A_54 = tpu.sem_alloc : memref<!tpu.dma_semaphore, #tpu.memory_space<semaphore_mem>>
      %dma_start3A_55 = arith.constant 0 : i32
      %dma_start3A_56 = tpu.memref_slice %arg3[%run_scoped3A_5, %mul3A_4, %dma_start3A_55] : memref<2x2560x128xi32, #tpu.memory_space<hbm>> -> memref<1x80x128xi32, #tpu.memory_space<hbm>>
      %dma_start3A_57 = tpu.memref_squeeze %dma_start3A_56 : memref<1x80x128xi32, #tpu.memory_space<hbm>> -> memref<80x128xi32, #tpu.memory_space<hbm>>
      %dma_start3A_58 = arith.constant 0 : i32
      %dma_start3A_59 = tpu.memref_slice %arg3[%run_scoped3A_5, %mul3A_4, %dma_start3A_58] : memref<2x2560x128xi32, #tpu.memory_space<hbm>> -> memref<1x80x128xi32, #tpu.memory_space<hbm>>
      %dma_start3A_60 = tpu.memref_squeeze %dma_start3A_59 : memref<1x80x128xi32, #tpu.memory_space<hbm>> -> memref<80x128xi32, #tpu.memory_space<hbm>>
      tpu.enqueue_dma source(%dma_start3A_60 : memref<80x128xi32, #tpu.memory_space<hbm>>) target(%arg7 : memref<80x128xi32, #tpu.memory_space<vmem>>) target_semaphore(%run_scoped3A_54 : memref<!tpu.dma_semaphore, #tpu.memory_space<semaphore_mem>>)
      %dma_wait3A_61 = arith.constant 0 : i32
      %dma_wait3A_62 = tpu.memref_slice %arg3[%run_scoped3A_5, %mul3A_4, %dma_wait3A_61] : memref<2x2560x128xi32, #tpu.memory_space<hbm>> -> memref<1x80x128xi32, #tpu.memory_space<hbm>>
      %dma_wait3A_63 = tpu.memref_squeeze %dma_wait3A_62 : memref<1x80x128xi32, #tpu.memory_space<hbm>> -> memref<80x128xi32, #tpu.memory_space<hbm>>
      %dma_wait3A_64 = arith.constant 0 : i32
      %dma_wait3A_65 = tpu.memref_slice %arg3[%run_scoped3A_5, %mul3A_4, %dma_wait3A_64] : memref<2x2560x128xi32, #tpu.memory_space<hbm>> -> memref<1x80x128xi32, #tpu.memory_space<hbm>>
      %dma_wait3A_66 = tpu.memref_squeeze %dma_wait3A_65 : memref<1x80x128xi32, #tpu.memory_space<hbm>> -> memref<80x128xi32, #tpu.memory_space<hbm>>
      tpu.wait_dma2 semaphore(%run_scoped3A_54 : memref<!tpu.dma_semaphore, #tpu.memory_space<semaphore_mem>>) src(%dma_wait3A_66 : memref<80x128xi32, #tpu.memory_space<hbm>>) dst(%arg7 : memref<80x128xi32, #tpu.memory_space<vmem>>)
      tpu.yield
    }) : () -> ()
    %mul3A_6 = arith.constant 640 : i32
    %mul3A_7 = arith.muli %arg1, %mul3A_6 : i32
    %mul3A_8 = arith.constant 640 : i32
    %mul3A_9 = arith.muli %arg1, %mul3A_8 : i32
    "tpu.region"() ({
      %run_scoped3A_54 = tpu.sem_alloc : memref<!tpu.dma_semaphore, #tpu.memory_space<semaphore_mem>>
      %dma_start3A_55 = arith.constant 0 : i32
      %dma_start3A_56 = tpu.memref_slice %arg10[%mul3A_9, %dma_start3A_55] : memref<10240x64xf32, #tpu.memory_space<vmem_shared>> -> memref<640x64xf32, #tpu.memory_space<vmem_shared>>
      %dma_start3A_57 = arith.constant 0 : i32
      %dma_start3A_58 = tpu.memref_slice %arg4[%mul3A_7, %dma_start3A_57] : memref<10240x64xf32, #tpu.memory_space<hbm>> -> memref<640x64xf32, #tpu.memory_space<hbm>>
      tpu.enqueue_dma source(%dma_start3A_58 : memref<640x64xf32, #tpu.memory_space<hbm>>) target(%dma_start3A_56 : memref<640x64xf32, #tpu.memory_space<vmem_shared>>) target_semaphore(%run_scoped3A_54 : memref<!tpu.dma_semaphore, #tpu.memory_space<semaphore_mem>>)
      %dma_wait3A_59 = arith.constant 0 : i32
      %dma_wait3A_60 = tpu.memref_slice %arg10[%mul3A_9, %dma_wait3A_59] : memref<10240x64xf32, #tpu.memory_space<vmem_shared>> -> memref<640x64xf32, #tpu.memory_space<vmem_shared>>
      %dma_wait3A_61 = arith.constant 0 : i32
      %dma_wait3A_62 = tpu.memref_slice %arg4[%mul3A_7, %dma_wait3A_61] : memref<10240x64xf32, #tpu.memory_space<hbm>> -> memref<640x64xf32, #tpu.memory_space<hbm>>
      tpu.wait_dma2 semaphore(%run_scoped3A_54 : memref<!tpu.dma_semaphore, #tpu.memory_space<semaphore_mem>>) src(%dma_wait3A_62 : memref<640x64xf32, #tpu.memory_space<hbm>>) dst(%dma_wait3A_60 : memref<640x64xf32, #tpu.memory_space<vmem_shared>>)
      tpu.yield
    }) : () -> ()
    %mul3A_10 = arith.constant 640 : i32
    %mul3A_11 = arith.muli %arg1, %mul3A_10 : i32
    %mul3A_12 = arith.constant 640 : i32
    %mul3A_13 = arith.muli %arg1, %mul3A_12 : i32
    "tpu.region"() ({
      %run_scoped3A_54 = tpu.sem_alloc : memref<!tpu.dma_semaphore, #tpu.memory_space<semaphore_mem>>
      %dma_start3A_55 = arith.constant 0 : i32
      %dma_start3A_56 = tpu.memref_slice %arg11[%mul3A_13, %dma_start3A_55] : memref<10240x64xf32, #tpu.memory_space<vmem_shared>> -> memref<640x64xf32, #tpu.memory_space<vmem_shared>>
      %dma_start3A_57 = arith.constant 0 : i32
      %dma_start3A_58 = tpu.memref_slice %arg2[%mul3A_11, %dma_start3A_57] : memref<10240x64xf32, #tpu.memory_space<hbm>> -> memref<640x64xf32, #tpu.memory_space<hbm>>
      tpu.enqueue_dma source(%dma_start3A_58 : memref<640x64xf32, #tpu.memory_space<hbm>>) target(%dma_start3A_56 : memref<640x64xf32, #tpu.memory_space<vmem_shared>>) target_semaphore(%run_scoped3A_54 : memref<!tpu.dma_semaphore, #tpu.memory_space<semaphore_mem>>)
      %dma_wait3A_59 = arith.constant 0 : i32
      %dma_wait3A_60 = tpu.memref_slice %arg11[%mul3A_13, %dma_wait3A_59] : memref<10240x64xf32, #tpu.memory_space<vmem_shared>> -> memref<640x64xf32, #tpu.memory_space<vmem_shared>>
      %dma_wait3A_61 = arith.constant 0 : i32
      %dma_wait3A_62 = tpu.memref_slice %arg2[%mul3A_11, %dma_wait3A_61] : memref<10240x64xf32, #tpu.memory_space<hbm>> -> memref<640x64xf32, #tpu.memory_space<hbm>>
      tpu.wait_dma2 semaphore(%run_scoped3A_54 : memref<!tpu.dma_semaphore, #tpu.memory_space<semaphore_mem>>) src(%dma_wait3A_62 : memref<640x64xf32, #tpu.memory_space<hbm>>) dst(%dma_wait3A_60 : memref<640x64xf32, #tpu.memory_space<vmem_shared>>)
      tpu.yield
    }) : () -> ()
    %barrier3A = arith.constant 0 : index
    tpu.barrier barrier_id(%barrier3A)
    %dma_start3A = arith.constant 0 : i32
    %dma_start3A_14 = arith.constant 0 : i32
    %dma_start3A_15 = tpu.memref_slice %arg6[%dma_start3A, %dma_start3A_14] : memref<80x128xi32, #tpu.memory_space<vmem>> -> memref<1x128xi32, #tpu.memory_space<vmem>>
    %dma_start3A_16 = tpu.memref_squeeze %dma_start3A_15 : memref<1x128xi32, #tpu.memory_space<vmem>> -> memref<128xi32, #tpu.memory_space<vmem>>
    %dma_start3A_17 = arith.constant 0 : i32
    %dma_start3A_18 = arith.constant 0 : i32
    %dma_start3A_19 = tpu.memref_slice %arg11[%dma_start3A_17, %dma_start3A_18] : memref<10240x64xf32, #tpu.memory_space<vmem_shared>> -> memref<10240x64xf32, #tpu.memory_space<vmem_shared>>
    tpu.enqueue_indirect_dma source(%dma_start3A_19 : memref<10240x64xf32, #tpu.memory_space<vmem_shared>>) target(%arg8 : memref<128x64xf32, #tpu.memory_space<vmem>>) offsets(%dma_start3A_16 : memref<128xi32, #tpu.memory_space<vmem>>) semaphore(%arg12 : memref<!tpu.dma_semaphore, #tpu.memory_space<semaphore_mem>>)
    %dma_start3A_20 = arith.constant 1 : i32
    %dma_start3A_21 = arith.constant 0 : i32
    %dma_start3A_22 = tpu.memref_slice %arg6[%dma_start3A_20, %dma_start3A_21] : memref<80x128xi32, #tpu.memory_space<vmem>> -> memref<1x128xi32, #tpu.memory_space<vmem>>
    %dma_start3A_23 = tpu.memref_squeeze %dma_start3A_22 : memref<1x128xi32, #tpu.memory_space<vmem>> -> memref<128xi32, #tpu.memory_space<vmem>>
    %dma_start3A_24 = arith.constant 0 : i32
    %dma_start3A_25 = arith.constant 0 : i32
    %dma_start3A_26 = tpu.memref_slice %arg11[%dma_start3A_24, %dma_start3A_25] : memref<10240x64xf32, #tpu.memory_space<vmem_shared>> -> memref<10240x64xf32, #tpu.memory_space<vmem_shared>>
    tpu.enqueue_indirect_dma source(%dma_start3A_26 : memref<10240x64xf32, #tpu.memory_space<vmem_shared>>) target(%arg9 : memref<128x64xf32, #tpu.memory_space<vmem>>) offsets(%dma_start3A_23 : memref<128xi32, #tpu.memory_space<vmem>>) semaphore(%arg13 : memref<!tpu.dma_semaphore, #tpu.memory_space<semaphore_mem>>)
    %scan3A = arith.constant 0 : i32
    %scan3A_27 = arith.constant 0 : i32
    %scan3A_28 = arith.constant 39 : i32
    %scan3A_29 = arith.addi %scan3A_27, %scan3A_28 : i32
    %scan3A_30 = arith.constant 1 : i32
    scf.for %scan3A_54 = %scan3A_27 to %scan3A_29 step %scan3A_30  : i32 {
      %mul3A_55 = arith.constant 2 : i32
      %mul3A_56 = arith.muli %mul3A_55, %scan3A_54 : i32
      %dma_wait3A_57 = arith.constant 0 : i32
      %dma_wait3A_58 = arith.constant 0 : i32
      %dma_wait3A_59 = tpu.memref_slice %arg6[%dma_wait3A_57, %dma_wait3A_58] : memref<80x128xi32, #tpu.memory_space<vmem>> -> memref<1x128xi32, #tpu.memory_space<vmem>>
      %dma_wait3A_60 = tpu.memref_squeeze %dma_wait3A_59 : memref<1x128xi32, #tpu.memory_space<vmem>> -> memref<128xi32, #tpu.memory_space<vmem>>
      %dma_wait3A_61 = arith.constant 0 : i32
      %dma_wait3A_62 = arith.constant 0 : i32
      %dma_wait3A_63 = tpu.memref_slice %arg11[%dma_wait3A_61, %dma_wait3A_62] : memref<10240x64xf32, #tpu.memory_space<vmem_shared>> -> memref<10240x64xf32, #tpu.memory_space<vmem_shared>>
      tpu.wait_indirect_dma semaphore(%arg12 : memref<!tpu.dma_semaphore, #tpu.memory_space<semaphore_mem>>) src(%dma_wait3A_63 : memref<10240x64xf32, #tpu.memory_space<vmem_shared>>) dst(%arg8 : memref<128x64xf32, #tpu.memory_space<vmem>>)
      "tpu.region"() ({
        %run_scoped3A_89 = tpu.sem_alloc : memref<!tpu.dma_semaphore, #tpu.memory_space<semaphore_mem>>
        %dma_start3A_90 = arith.constant 0 : i32
        %dma_start3A_91 = tpu.memref_slice %arg7[%mul3A_56, %dma_start3A_90] : memref<80x128xi32, #tpu.memory_space<vmem>> -> memref<1x128xi32, #tpu.memory_space<vmem>>
        %dma_start3A_92 = tpu.memref_squeeze %dma_start3A_91 : memref<1x128xi32, #tpu.memory_space<vmem>> -> memref<128xi32, #tpu.memory_space<vmem>>
        %dma_start3A_93 = arith.constant 0 : i32
        %dma_start3A_94 = arith.constant 0 : i32
        %dma_start3A_95 = tpu.memref_slice %arg10[%dma_start3A_93, %dma_start3A_94] : memref<10240x64xf32, #tpu.memory_space<vmem_shared>> -> memref<10240x64xf32, #tpu.memory_space<vmem_shared>>
        tpu.enqueue_indirect_dma source(%arg8 : memref<128x64xf32, #tpu.memory_space<vmem>>) target(%dma_start3A_95 : memref<10240x64xf32, #tpu.memory_space<vmem_shared>>) offsets(%dma_start3A_92 : memref<128xi32, #tpu.memory_space<vmem>>) semaphore(%run_scoped3A_89 : memref<!tpu.dma_semaphore, #tpu.memory_space<semaphore_mem>>) {add = true}
        %dma_wait3A_96 = arith.constant 0 : i32
        %dma_wait3A_97 = tpu.memref_slice %arg7[%mul3A_56, %dma_wait3A_96] : memref<80x128xi32, #tpu.memory_space<vmem>> -> memref<1x128xi32, #tpu.memory_space<vmem>>
        %dma_wait3A_98 = tpu.memref_squeeze %dma_wait3A_97 : memref<1x128xi32, #tpu.memory_space<vmem>> -> memref<128xi32, #tpu.memory_space<vmem>>
        %dma_wait3A_99 = arith.constant 0 : i32
        %dma_wait3A_100 = arith.constant 0 : i32
        %dma_wait3A_101 = tpu.memref_slice %arg10[%dma_wait3A_99, %dma_wait3A_100] : memref<10240x64xf32, #tpu.memory_space<vmem_shared>> -> memref<10240x64xf32, #tpu.memory_space<vmem_shared>>
        tpu.wait_indirect_dma semaphore(%run_scoped3A_89 : memref<!tpu.dma_semaphore, #tpu.memory_space<semaphore_mem>>) src(%arg8 : memref<128x64xf32, #tpu.memory_space<vmem>>) dst(%dma_wait3A_101 : memref<10240x64xf32, #tpu.memory_space<vmem_shared>>)
        tpu.yield
      }) : () -> ()
      %add3A_64 = arith.constant 2 : i32
      %add3A_65 = arith.addi %mul3A_56, %add3A_64 : i32
      %dma_start3A_66 = arith.constant 0 : i32
      %dma_start3A_67 = tpu.memref_slice %arg6[%add3A_65, %dma_start3A_66] : memref<80x128xi32, #tpu.memory_space<vmem>> -> memref<1x128xi32, #tpu.memory_space<vmem>>
      %dma_start3A_68 = tpu.memref_squeeze %dma_start3A_67 : memref<1x128xi32, #tpu.memory_space<vmem>> -> memref<128xi32, #tpu.memory_space<vmem>>
      %dma_start3A_69 = arith.constant 0 : i32
      %dma_start3A_70 = arith.constant 0 : i32
      %dma_start3A_71 = tpu.memref_slice %arg11[%dma_start3A_69, %dma_start3A_70] : memref<10240x64xf32, #tpu.memory_space<vmem_shared>> -> memref<10240x64xf32, #tpu.memory_space<vmem_shared>>
      tpu.enqueue_indirect_dma source(%dma_start3A_71 : memref<10240x64xf32, #tpu.memory_space<vmem_shared>>) target(%arg8 : memref<128x64xf32, #tpu.memory_space<vmem>>) offsets(%dma_start3A_68 : memref<128xi32, #tpu.memory_space<vmem>>) semaphore(%arg12 : memref<!tpu.dma_semaphore, #tpu.memory_space<semaphore_mem>>)
      %dma_wait3A_72 = arith.constant 0 : i32
      %dma_wait3A_73 = arith.constant 0 : i32
      %dma_wait3A_74 = tpu.memref_slice %arg6[%dma_wait3A_72, %dma_wait3A_73] : memref<80x128xi32, #tpu.memory_space<vmem>> -> memref<1x128xi32, #tpu.memory_space<vmem>>
      %dma_wait3A_75 = tpu.memref_squeeze %dma_wait3A_74 : memref<1x128xi32, #tpu.memory_space<vmem>> -> memref<128xi32, #tpu.memory_space<vmem>>
      %dma_wait3A_76 = arith.constant 0 : i32
      %dma_wait3A_77 = arith.constant 0 : i32
      %dma_wait3A_78 = tpu.memref_slice %arg11[%dma_wait3A_76, %dma_wait3A_77] : memref<10240x64xf32, #tpu.memory_space<vmem_shared>> -> memref<10240x64xf32, #tpu.memory_space<vmem_shared>>
      tpu.wait_indirect_dma semaphore(%arg13 : memref<!tpu.dma_semaphore, #tpu.memory_space<semaphore_mem>>) src(%dma_wait3A_78 : memref<10240x64xf32, #tpu.memory_space<vmem_shared>>) dst(%arg9 : memref<128x64xf32, #tpu.memory_space<vmem>>)
      %add3A_79 = arith.constant 1 : i32
      %add3A_80 = arith.addi %mul3A_56, %add3A_79 : i32
      "tpu.region"() ({
        %run_scoped3A_89 = tpu.sem_alloc : memref<!tpu.dma_semaphore, #tpu.memory_space<semaphore_mem>>
        %dma_start3A_90 = arith.constant 0 : i32
        %dma_start3A_91 = tpu.memref_slice %arg7[%add3A_80, %dma_start3A_90] : memref<80x128xi32, #tpu.memory_space<vmem>> -> memref<1x128xi32, #tpu.memory_space<vmem>>
        %dma_start3A_92 = tpu.memref_squeeze %dma_start3A_91 : memref<1x128xi32, #tpu.memory_space<vmem>> -> memref<128xi32, #tpu.memory_space<vmem>>
        %dma_start3A_93 = arith.constant 0 : i32
        %dma_start3A_94 = arith.constant 0 : i32
        %dma_start3A_95 = tpu.memref_slice %arg10[%dma_start3A_93, %dma_start3A_94] : memref<10240x64xf32, #tpu.memory_space<vmem_shared>> -> memref<10240x64xf32, #tpu.memory_space<vmem_shared>>
        tpu.enqueue_indirect_dma source(%arg9 : memref<128x64xf32, #tpu.memory_space<vmem>>) target(%dma_start3A_95 : memref<10240x64xf32, #tpu.memory_space<vmem_shared>>) offsets(%dma_start3A_92 : memref<128xi32, #tpu.memory_space<vmem>>) semaphore(%run_scoped3A_89 : memref<!tpu.dma_semaphore, #tpu.memory_space<semaphore_mem>>) {add = true}
        %dma_wait3A_96 = arith.constant 0 : i32
        %dma_wait3A_97 = tpu.memref_slice %arg7[%add3A_80, %dma_wait3A_96] : memref<80x128xi32, #tpu.memory_space<vmem>> -> memref<1x128xi32, #tpu.memory_space<vmem>>
        %dma_wait3A_98 = tpu.memref_squeeze %dma_wait3A_97 : memref<1x128xi32, #tpu.memory_space<vmem>> -> memref<128xi32, #tpu.memory_space<vmem>>
        %dma_wait3A_99 = arith.constant 0 : i32
        %dma_wait3A_100 = arith.constant 0 : i32
        %dma_wait3A_101 = tpu.memref_slice %arg10[%dma_wait3A_99, %dma_wait3A_100] : memref<10240x64xf32, #tpu.memory_space<vmem_shared>> -> memref<10240x64xf32, #tpu.memory_space<vmem_shared>>
        tpu.wait_indirect_dma semaphore(%run_scoped3A_89 : memref<!tpu.dma_semaphore, #tpu.memory_space<semaphore_mem>>) src(%arg9 : memref<128x64xf32, #tpu.memory_space<vmem>>) dst(%dma_wait3A_101 : memref<10240x64xf32, #tpu.memory_space<vmem_shared>>)
        tpu.yield
      }) : () -> ()
      %add3A_81 = arith.constant 3 : i32
      %add3A_82 = arith.addi %mul3A_56, %add3A_81 : i32
      %dma_start3A_83 = arith.constant 0 : i32
      %dma_start3A_84 = tpu.memref_slice %arg6[%add3A_82, %dma_start3A_83] : memref<80x128xi32, #tpu.memory_space<vmem>> -> memref<1x128xi32, #tpu.memory_space<vmem>>
      %dma_start3A_85 = tpu.memref_squeeze %dma_start3A_84 : memref<1x128xi32, #tpu.memory_space<vmem>> -> memref<128xi32, #tpu.memory_space<vmem>>
      %dma_start3A_86 = arith.constant 0 : i32
      %dma_start3A_87 = arith.constant 0 : i32
      %dma_start3A_88 = tpu.memref_slice %arg11[%dma_start3A_86, %dma_start3A_87] : memref<10240x64xf32, #tpu.memory_space<vmem_shared>> -> memref<10240x64xf32, #tpu.memory_space<vmem_shared>>
      tpu.enqueue_indirect_dma source(%dma_start3A_88 : memref<10240x64xf32, #tpu.memory_space<vmem_shared>>) target(%arg9 : memref<128x64xf32, #tpu.memory_space<vmem>>) offsets(%dma_start3A_85 : memref<128xi32, #tpu.memory_space<vmem>>) semaphore(%arg13 : memref<!tpu.dma_semaphore, #tpu.memory_space<semaphore_mem>>)
    }
    %scan3A_31 = arith.constant 39 : i32
    %dma_wait3A = arith.constant 0 : i32
    %dma_wait3A_32 = arith.constant 0 : i32
    %dma_wait3A_33 = tpu.memref_slice %arg6[%dma_wait3A, %dma_wait3A_32] : memref<80x128xi32, #tpu.memory_space<vmem>> -> memref<1x128xi32, #tpu.memory_space<vmem>>
    %dma_wait3A_34 = tpu.memref_squeeze %dma_wait3A_33 : memref<1x128xi32, #tpu.memory_space<vmem>> -> memref<128xi32, #tpu.memory_space<vmem>>
    %dma_wait3A_35 = arith.constant 0 : i32
    %dma_wait3A_36 = arith.constant 0 : i32
    %dma_wait3A_37 = tpu.memref_slice %arg11[%dma_wait3A_35, %dma_wait3A_36] : memref<10240x64xf32, #tpu.memory_space<vmem_shared>> -> memref<10240x64xf32, #tpu.memory_space<vmem_shared>>
    tpu.wait_indirect_dma semaphore(%arg12 : memref<!tpu.dma_semaphore, #tpu.memory_space<semaphore_mem>>) src(%dma_wait3A_37 : memref<10240x64xf32, #tpu.memory_space<vmem_shared>>) dst(%arg8 : memref<128x64xf32, #tpu.memory_space<vmem>>)
    %run_scoped3A_38 = arith.constant 78 : i32
    "tpu.region"() ({
      %run_scoped3A_54 = tpu.sem_alloc : memref<!tpu.dma_semaphore, #tpu.memory_space<semaphore_mem>>
      %dma_start3A_55 = arith.constant 0 : i32
      %dma_start3A_56 = tpu.memref_slice %arg7[%run_scoped3A_38, %dma_start3A_55] : memref<80x128xi32, #tpu.memory_space<vmem>> -> memref<1x128xi32, #tpu.memory_space<vmem>>
      %dma_start3A_57 = tpu.memref_squeeze %dma_start3A_56 : memref<1x128xi32, #tpu.memory_space<vmem>> -> memref<128xi32, #tpu.memory_space<vmem>>
      %dma_start3A_58 = arith.constant 0 : i32
      %dma_start3A_59 = arith.constant 0 : i32
      %dma_start3A_60 = tpu.memref_slice %arg10[%dma_start3A_58, %dma_start3A_59] : memref<10240x64xf32, #tpu.memory_space<vmem_shared>> -> memref<10240x64xf32, #tpu.memory_space<vmem_shared>>
      tpu.enqueue_indirect_dma source(%arg8 : memref<128x64xf32, #tpu.memory_space<vmem>>) target(%dma_start3A_60 : memref<10240x64xf32, #tpu.memory_space<vmem_shared>>) offsets(%dma_start3A_57 : memref<128xi32, #tpu.memory_space<vmem>>) semaphore(%run_scoped3A_54 : memref<!tpu.dma_semaphore, #tpu.memory_space<semaphore_mem>>) {add = true}
      %dma_wait3A_61 = arith.constant 0 : i32
      %dma_wait3A_62 = tpu.memref_slice %arg7[%run_scoped3A_38, %dma_wait3A_61] : memref<80x128xi32, #tpu.memory_space<vmem>> -> memref<1x128xi32, #tpu.memory_space<vmem>>
      %dma_wait3A_63 = tpu.memref_squeeze %dma_wait3A_62 : memref<1x128xi32, #tpu.memory_space<vmem>> -> memref<128xi32, #tpu.memory_space<vmem>>
      %dma_wait3A_64 = arith.constant 0 : i32
      %dma_wait3A_65 = arith.constant 0 : i32
      %dma_wait3A_66 = tpu.memref_slice %arg10[%dma_wait3A_64, %dma_wait3A_65] : memref<10240x64xf32, #tpu.memory_space<vmem_shared>> -> memref<10240x64xf32, #tpu.memory_space<vmem_shared>>
      tpu.wait_indirect_dma semaphore(%run_scoped3A_54 : memref<!tpu.dma_semaphore, #tpu.memory_space<semaphore_mem>>) src(%arg8 : memref<128x64xf32, #tpu.memory_space<vmem>>) dst(%dma_wait3A_66 : memref<10240x64xf32, #tpu.memory_space<vmem_shared>>)
      tpu.yield
    }) : () -> ()
    %dma_wait3A_39 = arith.constant 0 : i32
    %dma_wait3A_40 = arith.constant 0 : i32
    %dma_wait3A_41 = tpu.memref_slice %arg6[%dma_wait3A_39, %dma_wait3A_40] : memref<80x128xi32, #tpu.memory_space<vmem>> -> memref<1x128xi32, #tpu.memory_space<vmem>>
    %dma_wait3A_42 = tpu.memref_squeeze %dma_wait3A_41 : memref<1x128xi32, #tpu.memory_space<vmem>> -> memref<128xi32, #tpu.memory_space<vmem>>
    %dma_wait3A_43 = arith.constant 0 : i32
    %dma_wait3A_44 = arith.constant 0 : i32
    %dma_wait3A_45 = tpu.memref_slice %arg11[%dma_wait3A_43, %dma_wait3A_44] : memref<10240x64xf32, #tpu.memory_space<vmem_shared>> -> memref<10240x64xf32, #tpu.memory_space<vmem_shared>>
    tpu.wait_indirect_dma semaphore(%arg13 : memref<!tpu.dma_semaphore, #tpu.memory_space<semaphore_mem>>) src(%dma_wait3A_45 : memref<10240x64xf32, #tpu.memory_space<vmem_shared>>) dst(%arg9 : memref<128x64xf32, #tpu.memory_space<vmem>>)
    %run_scoped3A_46 = arith.constant 79 : i32
    "tpu.region"() ({
      %run_scoped3A_54 = tpu.sem_alloc : memref<!tpu.dma_semaphore, #tpu.memory_space<semaphore_mem>>
      %dma_start3A_55 = arith.constant 0 : i32
      %dma_start3A_56 = tpu.memref_slice %arg7[%run_scoped3A_46, %dma_start3A_55] : memref<80x128xi32, #tpu.memory_space<vmem>> -> memref<1x128xi32, #tpu.memory_space<vmem>>
      %dma_start3A_57 = tpu.memref_squeeze %dma_start3A_56 : memref<1x128xi32, #tpu.memory_space<vmem>> -> memref<128xi32, #tpu.memory_space<vmem>>
      %dma_start3A_58 = arith.constant 0 : i32
      %dma_start3A_59 = arith.constant 0 : i32
      %dma_start3A_60 = tpu.memref_slice %arg10[%dma_start3A_58, %dma_start3A_59] : memref<10240x64xf32, #tpu.memory_space<vmem_shared>> -> memref<10240x64xf32, #tpu.memory_space<vmem_shared>>
      tpu.enqueue_indirect_dma source(%arg9 : memref<128x64xf32, #tpu.memory_space<vmem>>) target(%dma_start3A_60 : memref<10240x64xf32, #tpu.memory_space<vmem_shared>>) offsets(%dma_start3A_57 : memref<128xi32, #tpu.memory_space<vmem>>) semaphore(%run_scoped3A_54 : memref<!tpu.dma_semaphore, #tpu.memory_space<semaphore_mem>>) {add = true}
      %dma_wait3A_61 = arith.constant 0 : i32
      %dma_wait3A_62 = tpu.memref_slice %arg7[%run_scoped3A_46, %dma_wait3A_61] : memref<80x128xi32, #tpu.memory_space<vmem>> -> memref<1x128xi32, #tpu.memory_space<vmem>>
      %dma_wait3A_63 = tpu.memref_squeeze %dma_wait3A_62 : memref<1x128xi32, #tpu.memory_space<vmem>> -> memref<128xi32, #tpu.memory_space<vmem>>
      %dma_wait3A_64 = arith.constant 0 : i32
      %dma_wait3A_65 = arith.constant 0 : i32
      %dma_wait3A_66 = tpu.memref_slice %arg10[%dma_wait3A_64, %dma_wait3A_65] : memref<10240x64xf32, #tpu.memory_space<vmem_shared>> -> memref<10240x64xf32, #tpu.memory_space<vmem_shared>>
      tpu.wait_indirect_dma semaphore(%run_scoped3A_54 : memref<!tpu.dma_semaphore, #tpu.memory_space<semaphore_mem>>) src(%arg9 : memref<128x64xf32, #tpu.memory_space<vmem>>) dst(%dma_wait3A_66 : memref<10240x64xf32, #tpu.memory_space<vmem_shared>>)
      tpu.yield
    }) : () -> ()
    %barrier3A_47 = arith.constant 0 : index
    tpu.barrier barrier_id(%barrier3A_47)
    %mul3A_48 = arith.constant 640 : i32
    %mul3A_49 = arith.muli %arg1, %mul3A_48 : i32
    %mul3A_50 = arith.constant 640 : i32
    %mul3A_51 = arith.muli %arg1, %mul3A_50 : i32
    %mul3A_52 = arith.constant 64 : i32
    %mul3A_53 = arith.muli %arg0, %mul3A_52 : i32
    "tpu.region"() ({
      %run_scoped3A_54 = tpu.sem_alloc : memref<!tpu.dma_semaphore, #tpu.memory_space<semaphore_mem>>
      %dma_start3A_55 = tpu.memref_slice %arg5[%mul3A_51, %mul3A_53] : memref<10240x128xf32, #tpu.memory_space<hbm>> -> memref<640x64xf32, #tpu.memory_space<hbm>>
      %dma_start3A_56 = arith.constant 0 : i32
      %dma_start3A_57 = tpu.memref_slice %arg10[%mul3A_49, %dma_start3A_56] : memref<10240x64xf32, #tpu.memory_space<vmem_shared>> -> memref<640x64xf32, #tpu.memory_space<vmem_shared>>
      tpu.enqueue_dma source(%dma_start3A_57 : memref<640x64xf32, #tpu.memory_space<vmem_shared>>) target(%dma_start3A_55 : memref<640x64xf32, #tpu.memory_space<hbm>>) target_semaphore(%run_scoped3A_54 : memref<!tpu.dma_semaphore, #tpu.memory_space<semaphore_mem>>)
      %dma_wait3A_58 = tpu.memref_slice %arg5[%mul3A_51, %mul3A_53] : memref<10240x128xf32, #tpu.memory_space<hbm>> -> memref<640x64xf32, #tpu.memory_space<hbm>>
      %dma_wait3A_59 = arith.constant 0 : i32
      %dma_wait3A_60 = tpu.memref_slice %arg10[%mul3A_49, %dma_wait3A_59] : memref<10240x64xf32, #tpu.memory_space<vmem_shared>> -> memref<640x64xf32, #tpu.memory_space<vmem_shared>>
      tpu.wait_dma2 semaphore(%run_scoped3A_54 : memref<!tpu.dma_semaphore, #tpu.memory_space<semaphore_mem>>) src(%dma_wait3A_60 : memref<640x64xf32, #tpu.memory_space<vmem_shared>>) dst(%dma_wait3A_58 : memref<640x64xf32, #tpu.memory_space<hbm>>)
      tpu.yield
    }) : () -> ()
    return
  }
}

module attributes {stable_mosaic.version = 14 : i64} {
  func.func @_tc1a_body(%arg0: memref<10000x128xf32, #tpu.memory_space<vmem>>, %arg1: memref<64x128xf32, #tpu.memory_space<vmem>>, %arg2: memref<1x64xf32, #tpu.memory_space<vmem>>, %arg3: memref<10240x64xf32, #tpu.memory_space<vmem>>) attributes {dimension_semantics = [], scalar_prefetch = 0 : i64, scratch_operands = 0 : i64, tpu.core_type = #tpu.core_type<tc>} {
    %get3A = arith.constant 0 : index
    %get3A_0 = arith.constant 0 : index
    %get3A_1 = vector.load %arg0[%get3A, %get3A_0] : memref<10000x128xf32, #tpu.memory_space<vmem>>, vector<10000x128xf32>
    %get3A_2 = arith.constant 0 : index
    %get3A_3 = arith.constant 0 : index
    %get3A_4 = vector.load %arg1[%get3A_2, %get3A_3] : memref<64x128xf32, #tpu.memory_space<vmem>>, vector<64x128xf32>
    %dot_general3A = arith.constant dense<0.000000e+00> : vector<10000x64xf32>
    %dot_general3A_5 = tpu.matmul %get3A_1, %get3A_4, %dot_general3A {dimension_numbers = #tpu.dot_dimension_numbers<[1], [1], [0], [0], [0, 0, 1, 0], [], []>, transpose_lhs_hint = false} : vector<10000x128xf32>, vector<64x128xf32>, vector<10000x64xf32> -> vector<10000x64xf32>
    %get3A_6 = arith.constant 0 : index
    %get3A_7 = arith.constant 0 : index
    %get3A_8 = vector.load %arg2[%get3A_6, %get3A_7] : memref<1x64xf32, #tpu.memory_space<vmem>>, vector<1x64xf32>
    %add3A = vector.broadcast %get3A_8 : vector<1x64xf32> to vector<10000x64xf32>
    %add3A_9 = arith.addf %dot_general3A_5, %add3A : vector<10000x64xf32>
    %swap3A = arith.constant 0 : index
    %swap3A_10 = arith.constant 0 : index
    %swap3A_11 = vector.load %arg3[%swap3A, %swap3A_10] : memref<10240x64xf32, #tpu.memory_space<vmem>>, vector<10000x64xf32>
    tpu.vector_store %arg3[%swap3A, %swap3A_10], %add3A_9 {strides = array<i32>} : memref<10240x64xf32, #tpu.memory_space<vmem>>, vector<10000x64xf32>,
    %broadcast_in_dim3A = arith.constant 0.000000e+00 : f32
    %broadcast_in_dim3A_12 = vector.broadcast %broadcast_in_dim3A : f32 to vector<240x64xf32>
    %swap3A_13 = arith.constant 10000 : index
    %swap3A_14 = arith.constant 0 : index
    %swap3A_15 = vector.load %arg3[%swap3A_13, %swap3A_14] : memref<10240x64xf32, #tpu.memory_space<vmem>>, vector<240x64xf32>
    tpu.vector_store %arg3[%swap3A_13, %swap3A_14], %broadcast_in_dim3A_12 {strides = array<i32>} : memref<10240x64xf32, #tpu.memory_space<vmem>>, vector<240x64xf32>,
    return
  }
}

module attributes {stable_mosaic.version = 14 : i64} {
  func.func @_tc1b_body(%arg0: memref<10240x64xf32, #tpu.memory_space<vmem>>, %arg1: memref<10240x16xf32, #tpu.memory_space<vmem>>, %arg2: memref<10240x64xf32, #tpu.memory_space<vmem>>) attributes {dimension_semantics = [], scalar_prefetch = 0 : i64, scratch_operands = 0 : i64, tpu.core_type = #tpu.core_type<tc>} {
    %get3A = arith.constant 0 : index
    %get3A_0 = arith.constant 0 : index
    %get3A_1 = vector.load %arg0[%get3A, %get3A_0] : memref<10240x64xf32, #tpu.memory_space<vmem>>, vector<10240x64xf32>
    %get3A_2 = arith.constant 0 : index
    %get3A_3 = arith.constant 0 : index
    %get3A_4 = vector.load %arg1[%get3A_2, %get3A_3] : memref<10240x16xf32, #tpu.memory_space<vmem>>, vector<10240x1xf32>
    %get3A_5 = arith.constant 0 : index
    %get3A_6 = arith.constant 8 : index
    %get3A_7 = vector.load %arg1[%get3A_5, %get3A_6] : memref<10240x16xf32, #tpu.memory_space<vmem>>, vector<10240x1xf32>
    %add3A = arith.addf %get3A_4, %get3A_7 : vector<10240x1xf32>
    %add3A_8 = arith.constant 1.000000e+00 : f32
    %add3A_9 = vector.broadcast %add3A_8 : f32 to vector<10240x1xf32>
    %add3A_10 = arith.addf %add3A, %add3A_9 : vector<10240x1xf32>
    %rsqrt3A = math.rsqrt %add3A_10 : vector<10240x1xf32>
    %mul3A = vector.broadcast %rsqrt3A : vector<10240x1xf32> to vector<10240x64xf32>
    %mul3A_11 = arith.mulf %get3A_1, %mul3A : vector<10240x64xf32>
    %swap3A = arith.constant 0 : index
    %swap3A_12 = arith.constant 0 : index
    %swap3A_13 = vector.load %arg2[%swap3A, %swap3A_12] : memref<10240x64xf32, #tpu.memory_space<vmem>>, vector<10240x64xf32>
    tpu.vector_store %arg2[%swap3A, %swap3A_12], %mul3A_11 {strides = array<i32>} : memref<10240x64xf32, #tpu.memory_space<vmem>>, vector<10240x64xf32>,
    return
  }
}

module attributes {stable_mosaic.version = 14 : i64} {
  func.func @_tc2_body(%arg0: memref<10240x128xf32, #tpu.memory_space<vmem>>, %arg1: memref<10240x64xf32, #tpu.memory_space<vmem>>, %arg2: memref<10240x16xf32, #tpu.memory_space<vmem>>, %arg3: memref<64x64xf32, #tpu.memory_space<vmem>>, %arg4: memref<1x64xf32, #tpu.memory_space<vmem>>, %arg5: memref<10240x64xf32, #tpu.memory_space<vmem>>) attributes {dimension_semantics = [], scalar_prefetch = 0 : i64, scratch_operands = 0 : i64, tpu.core_type = #tpu.core_type<tc>} {
    %get3A = arith.constant 0 : index
    %get3A_0 = arith.constant 0 : index
    %get3A_1 = vector.load %arg2[%get3A, %get3A_0] : memref<10240x16xf32, #tpu.memory_space<vmem>>, vector<10240x1xf32>
    %get3A_2 = arith.constant 0 : index
    %get3A_3 = arith.constant 8 : index
    %get3A_4 = vector.load %arg2[%get3A_2, %get3A_3] : memref<10240x16xf32, #tpu.memory_space<vmem>>, vector<10240x1xf32>
    %add3A = arith.addf %get3A_1, %get3A_4 : vector<10240x1xf32>
    %add3A_5 = arith.constant 1.000000e+00 : f32
    %add3A_6 = vector.broadcast %add3A_5 : f32 to vector<10240x1xf32>
    %add3A_7 = arith.addf %add3A, %add3A_6 : vector<10240x1xf32>
    %rsqrt3A = math.rsqrt %add3A_7 : vector<10240x1xf32>
    %get3A_8 = arith.constant 0 : index
    %get3A_9 = arith.constant 0 : index
    %get3A_10 = vector.load %arg0[%get3A_8, %get3A_9] : memref<10240x128xf32, #tpu.memory_space<vmem>>, vector<10240x64xf32>
    %get3A_11 = arith.constant 0 : index
    %get3A_12 = arith.constant 64 : index
    %get3A_13 = vector.load %arg0[%get3A_11, %get3A_12] : memref<10240x128xf32, #tpu.memory_space<vmem>>, vector<10240x64xf32>
    %add3A_14 = arith.addf %get3A_10, %get3A_13 : vector<10240x64xf32>
    %get3A_15 = arith.constant 0 : index
    %get3A_16 = arith.constant 0 : index
    %get3A_17 = vector.load %arg1[%get3A_15, %get3A_16] : memref<10240x64xf32, #tpu.memory_space<vmem>>, vector<10240x64xf32>
    %add3A_18 = arith.addf %add3A_14, %get3A_17 : vector<10240x64xf32>
    %mul3A = vector.broadcast %rsqrt3A : vector<10240x1xf32> to vector<10240x64xf32>
    %mul3A_19 = arith.mulf %mul3A, %add3A_18 : vector<10240x64xf32>
    %max3A = arith.constant 0.000000e+00 : f32
    %max3A_20 = vector.broadcast %max3A : f32 to vector<10240x64xf32>
    %max3A_21 = arith.maximumf %mul3A_19, %max3A_20 : vector<10240x64xf32>
    %get3A_22 = arith.constant 0 : index
    %get3A_23 = arith.constant 0 : index
    %get3A_24 = vector.load %arg3[%get3A_22, %get3A_23] : memref<64x64xf32, #tpu.memory_space<vmem>>, vector<64x64xf32>
    %dot_general3A = arith.constant dense<0.000000e+00> : vector<10240x64xf32>
    %dot_general3A_25 = tpu.matmul %max3A_21, %get3A_24, %dot_general3A {dimension_numbers = #tpu.dot_dimension_numbers<[1], [1], [0], [0], [0, 0, 1, 0], [], []>, transpose_lhs_hint = false} : vector<10240x64xf32>, vector<64x64xf32>, vector<10240x64xf32> -> vector<10240x64xf32>
    %get3A_26 = arith.constant 0 : index
    %get3A_27 = arith.constant 0 : index
    %get3A_28 = vector.load %arg4[%get3A_26, %get3A_27] : memref<1x64xf32, #tpu.memory_space<vmem>>, vector<1x64xf32>
    %add3A_29 = vector.broadcast %get3A_28 : vector<1x64xf32> to vector<10240x64xf32>
    %add3A_30 = arith.addf %dot_general3A_25, %add3A_29 : vector<10240x64xf32>
    %mul3A_31 = vector.broadcast %rsqrt3A : vector<10240x1xf32> to vector<10240x64xf32>
    %mul3A_32 = arith.mulf %add3A_30, %mul3A_31 : vector<10240x64xf32>
    %swap3A = arith.constant 0 : index
    %swap3A_33 = arith.constant 0 : index
    %swap3A_34 = vector.load %arg5[%swap3A, %swap3A_33] : memref<10240x64xf32, #tpu.memory_space<vmem>>, vector<10240x64xf32>
    tpu.vector_store %arg5[%swap3A, %swap3A_33], %mul3A_32 {strides = array<i32>} : memref<10240x64xf32, #tpu.memory_space<vmem>>, vector<10240x64xf32>,
    return
  }
}

module attributes {stable_mosaic.version = 14 : i64} {
  func.func @_tc3_body(%arg0: memref<10240x128xf32, #tpu.memory_space<vmem>>, %arg1: memref<10240x64xf32, #tpu.memory_space<vmem>>, %arg2: memref<10240x16xf32, #tpu.memory_space<vmem>>, %arg3: memref<64x64xf32, #tpu.memory_space<vmem>>, %arg4: memref<1x64xf32, #tpu.memory_space<vmem>>, %arg5: memref<10000x40xf32, #tpu.memory_space<vmem>>) attributes {dimension_semantics = [], scalar_prefetch = 0 : i64, scratch_operands = 0 : i64, tpu.core_type = #tpu.core_type<tc>} {
    %get3A = arith.constant 0 : index
    %get3A_0 = arith.constant 0 : index
    %get3A_1 = vector.load %arg2[%get3A, %get3A_0] : memref<10240x16xf32, #tpu.memory_space<vmem>>, vector<10240x1xf32>
    %get3A_2 = arith.constant 0 : index
    %get3A_3 = arith.constant 8 : index
    %get3A_4 = vector.load %arg2[%get3A_2, %get3A_3] : memref<10240x16xf32, #tpu.memory_space<vmem>>, vector<10240x1xf32>
    %add3A = arith.addf %get3A_1, %get3A_4 : vector<10240x1xf32>
    %add3A_5 = arith.constant 1.000000e+00 : f32
    %add3A_6 = vector.broadcast %add3A_5 : f32 to vector<10240x1xf32>
    %add3A_7 = arith.addf %add3A, %add3A_6 : vector<10240x1xf32>
    %rsqrt3A = math.rsqrt %add3A_7 : vector<10240x1xf32>
    %slice3A = vector.extract_strided_slice %rsqrt3A {offsets = [0, 0], sizes = [10000, 1], strides = [1, 1]} : vector<10240x1xf32> to vector<10000x1xf32>
    %get3A_8 = arith.constant 0 : index
    %get3A_9 = arith.constant 0 : index
    %get3A_10 = vector.load %arg0[%get3A_8, %get3A_9] : memref<10240x128xf32, #tpu.memory_space<vmem>>, vector<10000x64xf32>
    %get3A_11 = arith.constant 0 : index
    %get3A_12 = arith.constant 64 : index
    %get3A_13 = vector.load %arg0[%get3A_11, %get3A_12] : memref<10240x128xf32, #tpu.memory_space<vmem>>, vector<10000x64xf32>
    %add3A_14 = arith.addf %get3A_10, %get3A_13 : vector<10000x64xf32>
    %get3A_15 = arith.constant 0 : index
    %get3A_16 = arith.constant 0 : index
    %get3A_17 = vector.load %arg1[%get3A_15, %get3A_16] : memref<10240x64xf32, #tpu.memory_space<vmem>>, vector<10000x64xf32>
    %add3A_18 = arith.addf %add3A_14, %get3A_17 : vector<10000x64xf32>
    %mul3A = vector.broadcast %slice3A : vector<10000x1xf32> to vector<10000x64xf32>
    %mul3A_19 = arith.mulf %mul3A, %add3A_18 : vector<10000x64xf32>
    %get3A_20 = arith.constant 0 : index
    %get3A_21 = arith.constant 0 : index
    %get3A_22 = vector.load %arg3[%get3A_20, %get3A_21] : memref<64x64xf32, #tpu.memory_space<vmem>>, vector<64x64xf32>
    %dot_general3A = arith.constant dense<0.000000e+00> : vector<10000x64xf32>
    %dot_general3A_23 = tpu.matmul %mul3A_19, %get3A_22, %dot_general3A {dimension_numbers = #tpu.dot_dimension_numbers<[1], [1], [0], [0], [0, 0, 1, 0], [], []>, transpose_lhs_hint = false} : vector<10000x64xf32>, vector<64x64xf32>, vector<10000x64xf32> -> vector<10000x64xf32>
    %get3A_24 = arith.constant 0 : index
    %get3A_25 = arith.constant 0 : index
    %get3A_26 = vector.load %arg4[%get3A_24, %get3A_25] : memref<1x64xf32, #tpu.memory_space<vmem>>, vector<1x64xf32>
    %add3A_27 = vector.broadcast %get3A_26 : vector<1x64xf32> to vector<10000x64xf32>
    %add3A_28 = arith.addf %dot_general3A_23, %add3A_27 : vector<10000x64xf32>
    %reduce_max3A = arith.constant dense<0xFF800000> : vector<10000xf32>
    %reduce_max3A_29 = vector.multi_reduction <maximumf>, %add3A_28, %reduce_max3A [1] : vector<10000x64xf32> to vector<10000xf32>
    %broadcast_in_dim3A = vector.shape_cast %reduce_max3A_29 : vector<10000xf32> to vector<10000x1xf32>
    %sub3A = vector.broadcast %broadcast_in_dim3A : vector<10000x1xf32> to vector<10000x64xf32>
    %sub3A_30 = arith.subf %add3A_28, %sub3A : vector<10000x64xf32>
    %exp3A = math.exp %sub3A_30 : vector<10000x64xf32>
    %reduce_sum3A = arith.constant dense<0.000000e+00> : vector<10000xf32>
    %reduce_sum3A_31 = vector.multi_reduction <add>, %exp3A, %reduce_sum3A [1] : vector<10000x64xf32> to vector<10000xf32>
    %broadcast_in_dim3A_32 = vector.shape_cast %reduce_sum3A_31 : vector<10000xf32> to vector<10000x1xf32>
    %log3A = math.log %broadcast_in_dim3A_32 : vector<10000x1xf32>
    %add3A_33 = arith.addf %broadcast_in_dim3A, %log3A : vector<10000x1xf32>
    %sub3A_34 = vector.broadcast %add3A_33 : vector<10000x1xf32> to vector<10000x64xf32>
    %sub3A_35 = arith.subf %add3A_28, %sub3A_34 : vector<10000x64xf32>
    %slice3A_36 = vector.extract_strided_slice %sub3A_35 {offsets = [0, 0], sizes = [10000, 40], strides = [1, 1]} : vector<10000x64xf32> to vector<10000x40xf32>
    %swap3A = arith.constant 0 : index
    %swap3A_37 = arith.constant 0 : index
    %swap3A_38 = vector.load %arg5[%swap3A, %swap3A_37] : memref<10000x40xf32, #tpu.memory_space<vmem>>, vector<10000x40xf32>
    tpu.vector_store %arg5[%swap3A, %swap3A_37], %slice3A_36 {strides = array<i32>} : memref<10000x40xf32, #tpu.memory_space<vmem>>, vector<10000x40xf32>,
    return
  }
}

</mosaic_0001>

<sc_bundles>
// kernel: kernel.12.cloned.1.call-start
scs
__scs_entry_jumppad:
0x0: {  	(pc) =	sbr.rel $0x88, $3  }
0x1: {  	(tag) =	ssettag $0x0;
	lr =	simm.s32 $0x1  }
0x2: {  	[smem:$0x3F99] =	sst lr;
	_ =	strace $0xD0000000  }
0x3: {  	_ = 	snop  }
0x4: {  	_ = 	snop  }
0x5: {  	_ = 	snop  }
0x6: {  	_ = 	snop  }
0x7: {  	_ = 	snop  }
__scs_overlays_trampoline_lowered:
0x8: {  	[smem:$0x3FA8] =	sst s0  }
0x9: {  	[smem:$0x3FA9] =	sst s1  }
0xa: {  	[smem:$0x3FAA] =	sst s2  }
0xb: {  	[smem:$0x3FAB] =	sst s3  }
0xc: {  	[smem:$0x3FAC] =	sst s4  }
0xd: {  	[smem:$0x3FAD] =	sst s5  }
0xe: {  	[smem:$0x3FAE] =	sst s6  }
0xf: {  	[smem:$0x3FAF] =	sst s7  }
0x10: {  	[smem:$0x3FB0] =	sst s8  }
0x11: {  	[smem:$0x3FB1] =	sst s9;
	s0 =	simm.s32 @!p0 $0x0  }
0x12: {  	s1 =	sld [smem:$0x3F97];
	s0 =	simm.s32 @p0 $0x1  }
0x13: {  	[smem:$0x3FB2] =	sst s0;
	s0 =	simm.s32 @!p1 $0x0  }
0x14: {  	s2 =	sld [smem:$0x3F96];
	s0 =	simm.s32 @p1 $0x1  }
0x15: {  	[smem:$0x3FB3] =	sst s0;
	s0 =	simm.s32 @!p2 $0x0  }
0x16: {  	s3 =	sld [smem:$0x3FDB];
	s0 =	simm.s32 @p2 $0x1  }
0x17: {  	s4 =	simm.s32 $0x1BF5;
	[smem:$0x3FB5] =	sst s0  }
0x18: {  	s0 =	sld [smem:$0x3F98];
	_ =	swait.ge [sflag:s4], $0x0  }
0x19: {  	s7 =	sld [smem:$0x3F99]  }
0x1a: {  	s8 =	sadd.s32 $0xFFFFE003, lr  }
0x1b: {  	s9 =	sadd.s32 $0xFFFFFEF7, lr;
	s5 =	simm.s32 $0xFFFFFFFF;
	p2 =	slt.u32 s8, $0xFFFFF086  }
0x1c: {  	p1 =	slt.u32 s9, $0xF7A;
	s5 =	simm.s32 @!p2 $0x0  }
0x1d: {  	s5 =	simm.s32 @p1 $0x1;
	p0 =	seq.s32 s7, s2  }
0x1e: {  	s7 =	smul.u32 @!p0 $0xF7A, s2;
	p2 =	seq.s32 @!p0 s5, $0x0  }
0x1f: {  	s9 =	smul.u32 $0xF7A, s1;
	s8 =	simm.s32 @!p0 $0x1BF5;
	p2 =	por !p2, p0  }
0x20: {  	[sflag:s8] =	ssyncset.s32 @!p0 $0xFFFFF086;
	s6 =	sadd.s32 @!p0 s3, s7;
	s7 =	simm.s32 @!p0 $0x108  }
0x21: {  	s3 =	sadd.s32 s3, s9;
	s6 =	sadd.s32 @!p0 $0x88, s6;
	s7 =	simm.s32 @p2 $0x1082  }
0x22: {  	[simem:s7], [sflag:s8] =	dma.local @!p0 [hbm:s6], $0xF7A  }
0x23: {  	s9 =	sor.u32 $0xD0000000, s2;
	s6 =	simm.s32 $0x108;
	_ =	swait.ge @!p0 [sflag:s8], $0x0  }
0x24: {  	s3 =	sadd.s32 $0x88, s3;
	s6 =	simm.s32 @!p1 $0x1082;
	[sflag:s4] =	ssyncset.s32 $0xFFFFF086  }
0x25: {  	[simem:s6], [sflag:s4] =	dma.local [hbm:s3], $0xF7A  }
0x26: {  	[smem:$0x3F99] =	sst s1;
	(tag) =	ssettag s2;
	_ =	strace s9  }
0x27: {  	s1 =	sld [smem:$0x3FA9]  }
0x28: {  	s2 =	sld [smem:$0x3FAA]  }
0x29: {  	s4 =	sld [smem:$0x3FAC]  }
0x2a: {  	p0 =	seq.s32 s5, $0x0;
	s5 =	sld [smem:$0x3FAD]  }
0x2b: {  	s6 =	sld [smem:$0x3FAE]  }
0x2c: {  	s7 =	sld [smem:$0x3FAF]  }
0x2d: {  	s3 =	simm.s32 $0x108;
	s8 =	sld [smem:$0x3FB0]  }
0x2e: {  	s3 =	simm.s32 @!p0 $0x1082;
	s9 =	sld [smem:$0x3FB1]  }
0x2f: {  	lr =	sadd.s32 s0, s3;
	s0 =	sld [smem:$0x3FA8]  }
0x30: {  	s3 =	sld [smem:$0x3FAB]  }
0x31: {  	[smem:$0x3FB4] =	sst s10  }
0x32: {  	s10 =	sld [smem:$0x3FB2];
	_ =	sdelay $0x3  }
0x33: {  	p0 =	seq.s32 s10, $0x1;
	s10 =	sld [smem:$0x3FB4];
	_ =	sdelay $0x3  }
0x34: {  	[smem:$0x3FB4] =	sst s10  }
0x35: {  	s10 =	sld [smem:$0x3FB3];
	_ =	sdelay $0x3  }
0x36: {  	p1 =	seq.s32 s10, $0x1;
	s10 =	sld [smem:$0x3FB4];
	_ =	sdelay $0x3  }
0x37: {  	[smem:$0x3FB4] =	sst s10  }
0x38: {  	s10 =	sld [smem:$0x3FB5]  }
0x39: {  	_ = 	snop;
	(pc) =	sbr.ind lr, $3  }
0x3a: {  	_ = 	snop  }
0x3b: {  	_ = 	snop  }
0x3c: {  	p2 =	seq.s32 s10, $0x1;
	s10 =	sld [smem:$0x3FB4]  }
0x3d: {  	_ =	shalt  }
0x3e: {  	_ =	shalt  }
0x3f: {  	_ =	shalt  }
0x40: {  	_ =	shalt  }
0x41: {  	_ =	shalt  }
0x42: {  	_ =	shalt  }
0x43: {  	_ =	shalt  }
0x44: {  	_ =	shalt  }
0x45: {  	_ =	shalt  }
0x46: {  	_ =	shalt  }
0x47: {  	_ =	shalt  }
0x48: {  	_ =	shalt  }
0x49: {  	_ =	shalt  }
0x4a: {  	_ =	shalt  }
0x4b: {  	_ =	shalt  }
0x4c: {  	_ =	shalt  }
0x4d: {  	_ =	shalt  }
0x4e: {  	_ =	shalt  }
0x4f: {  	_ =	shalt  }
0x50: {  	_ =	shalt  }
0x51: {  	_ =	shalt  }
0x52: {  	_ =	shalt  }
0x53: {  	_ =	shalt  }
0x54: {  	_ =	shalt  }
0x55: {  	_ =	shalt  }
0x56: {  	_ =	shalt  }
0x57: {  	_ =	shalt  }
0x58: {  	_ =	shalt  }
0x59: {  	_ =	shalt  }
0x5a: {  	_ =	shalt  }
0x5b: {  	_ =	shalt  }
0x5c: {  	_ =	shalt  }
0x5d: {  	_ =	shalt  }
0x5e: {  	_ =	shalt  }
0x5f: {  	_ =	shalt  }
0x60: {  	_ =	shalt  }
0x61: {  	_ =	shalt  }
0x62: {  	_ =	shalt  }
0x63: {  	_ =	shalt  }
0x64: {  	_ =	shalt  }
0x65: {  	_ =	shalt  }
0x66: {  	_ =	shalt  }
0x67: {  	_ =	shalt  }
0x68: {  	_ =	shalt  }
0x69: {  	_ =	shalt  }
0x6a: {  	_ =	shalt  }
0x6b: {  	_ =	shalt  }
0x6c: {  	_ =	shalt  }
0x6d: {  	_ =	shalt  }
0x6e: {  	_ =	shalt  }
0x6f: {  	_ =	shalt  }
0x70: {  	_ =	shalt  }
0x71: {  	_ =	shalt  }
0x72: {  	_ =	shalt  }
0x73: {  	_ =	shalt  }
0x74: {  	_ =	shalt  }
0x75: {  	_ =	shalt  }
0x76: {  	_ =	shalt  }
0x77: {  	_ =	shalt  }
0x78: {  	_ =	shalt  }
0x79: {  	_ =	shalt  }
0x7a: {  	_ =	shalt  }
0x7b: {  	_ =	shalt  }
0x7c: {  	_ =	shalt  }
0x7d: {  	_ =	shalt  }
0x7e: {  	_ =	shalt  }
0x7f: {  	_ =	shalt  }
0x80: {  	_ =	shalt  }
0x81: {  	_ =	shalt  }
0x82: {  	_ =	shalt  }
0x83: {  	_ =	shalt  }
0x84: {  	_ =	shalt  }
0x85: {  	_ =	shalt  }
0x86: {  	_ =	shalt  }
0x87: {  	_ =	shalt  }
.Lfunc_end0:
.L_simem_size_0:
called_computation.1_lowered:
.L_overlay_start_0:
0x88: {  	s2 =	sld [smem:$0x3FD9]  }
0x89: {  	s3 =	sld [smem:$0x3FFE];
	_ =	sdelay $0x1  }
0x8a: {  	s1 =	srdreg.scid  }
0x8b: {  	s0 =	sand.u32 $0x1, s1  }
0x8c: {  	s16 =	sshll.u32 s0, $0xA;
	s2 =	sadd.s32 s3, s2  }
0x8d: {  	s2 =	sadd.s32 s2, s16  }
0x8e: {  	[smem:$0x3FC0] =	sst s2  }
0x8f: {  	_ = 	snop  }
0x90: {  	(tm) =	ssettm $0x1  }
0x91: {  	s17 =	sld [smem:$0x3FFB];
	_ =	sdelay $0x3  }
0x92: {  	_ =	strace s17  }
0x93: {  	s2 =	sld [smem:$0x3FFC];
	_ =	sdelay $0x3  }
0x94: {  	_ =	strace s2  }
0x95: {  	s2 =	sld [smem:$0x3FFD];
	_ =	sdelay $0x3  }
0x96: {  	_ =	strace s2  }
0x97: {  	_ =	strace $0x8FFFFFFF  }
0x98: {  	s18 =	sld [smem:$0x3FDB];
	_ =	sdelay $0x1  }
0x99: {  	s19 =	simm.s32 $_scs_section_size  }
0x9a: {  	s4 =	simm.s32 $_size__tile_overlayer_lowered;
	s5 =	simm.s32 $_tile_overlayer_lowered  }
0x9b: {  	s22 =	simm.s32 $0x1BFF;
	s21 =	sshll.u32 s5, $0x1;
	s2 =	sadd.s32 s19, s18  }
0x9c: {  	s6 =	simm.s32 $0x0;
	s20 =	sshll.u32 s4, $0x1;
	s4 =	sadd.s32 s21, s2  }
0x9d: {  	[timem:s6], [sflag:s22] =	dma.local [hbm:s4], s20  }
0x9e: {  	_ =	swait.ge [sflag:s22], s20  }
0x9f: {  	s3 =	ssub.s32 $0x0, s20;
	[sflag:s22] =	ssyncset.done $0x0  }
0xa0: {  	[sflag:s22] =	ssyncadd.s32 s3;
	_ =	sdelay $0x1  }
0xa1: {  	s23 =	simm.s32 $0x1B8B  }
0xa2: {  	_ =	swait.ge [sflag:s23], $0x1  }
0xa3: {  	[sflag:s23] =	ssyncset.done $0x0  }
0xa4: {  	s25 =	simm.s32 $0x1B8E;
	s24 =	sld [smem:$0x3FFE];
	[sflag:s23] =	ssyncadd.s32 $0xFFFFFFFF  }
0xa5: {  	s26 =	simm.s32 $execute0_lowered;
	[smem:$0x3FD2] =	sst s25  }
0xa6: {  	s4 =	sshll.u32 s26, $0x1;
	_ =	strace $0x80000049;
	[dreg:$0x1] =	wrdreg $0xFFFFFFFF  }
0xa7: {  	s28 =	simm.s32 $_size_execute0_lowered;
	s2 =	sadd.s32 s2, s4;
	[dreg:$0x0] =	wrdreg $0x0  }
0xa8: {  	s4 =	sshll.u32 s28, $0x1;
	[dreg:$0x2] =	wrdreg s2  }
0xa9: {  	[dreg:$0x3] =	wrdreg s4  }
0xaa: {  	[dreg:$0x4] =	wrdreg $0xC0  }
0xab: {  	_ =	task [dreg:s6], $0x5FFFF  }
0xac: {  	[dreg:$0x1] =	wrdreg $0xFFFFFFFF  }
0xad: {  	[dreg:$0x0] =	wrdreg $0x60  }
0xae: {  	[dreg:$0x2] =	wrdreg s24  }
0xaf: {  	[dreg:$0x3] =	wrdreg $0x90000  }
0xb0: {  	[dreg:$0x4] =	wrdreg $0x130000  }
0xb1: {  	[dreg:$0x5] =	wrdreg $0x9  }
0xb2: {  	_ =	task.clear_ibuf [dreg:s6], $0x6FFFF;
	_ =	strace $0x90000049  }
0xb3: {  	s29 =	simm.s32 $0x9;
	_ =	strace $0x8000004B  }
0xb4: {  	_ =	swait.ge [sflag:s29], $0x1  }
0xb5: {  	[sflag:s29] =	ssyncadd.s32 $0xFFFFFFFF  }
0xb6: {  	_ =	strace $0x9000004B  }
0xb7: {  	_ =	sfence  }
0xb8: {  	s30 =	sld [smem:$0x0];
	_ =	sdelay $0x2  }
0xb9: {  	s31 =	sshll.u32 s1, $0xD;
	s1 =	sshrl.u32 s1, $0x2  }
0xba: {  	s3 =	sand.u32 $0x4000, s31;
	s1 =	sadd.s32 s1, s30  }
0xbb: {  	s0 =	sor.u32 s3, s0;
	s1 =	sshll.u32 s1, $0x11  }
0xbc: {  	s0 =	sor.u32 s1, s0  }
0xbd: {  	s0 =	sadd.s32 $0x8F2B, s0  }
0xbe: {  	[sflag:s0] =	ssyncadd.remote.s32 $0x1  }
0xbf: {  	_ =	sfence.sel $0xFFFF  }
0xc0: {  	[dreg:$0x0] =	wrdreg $0xFFFFFFFF;
	(pc) =	sbr.abs _section_cstart, $3  }
0xc1: {  	[dreg:$0x1] =	wrdreg $0xFFFFFFFF  }
0xc2: {  	_ =	task.clear_ibuf [dreg:s6], $0x2FFFF;
	_ =	strace $0x9FFFFFFF  }
0xc3: {  	(tm) =	ssettm $0x7FFFFFFF  }
tec
execute0_lowered:
.L_overlay_start_1:
0x0: {  	(tag) =	ssettag $0x1  }
0x1: {  	s5 =	rddreg [dreg:$0x0]  }
0x2: {  	s1 =	rddreg [dreg:$0x1]  }
0x3: {  	s3 =	rddreg [dreg:$0x2]  }
0x4: {  	s0 =	rddreg [dreg:$0x3];
	s4 =	simm.s32 $0x0  }
0x5: {  	s2 =	stileid.u32;
	s6 =	srdreg.scid;
	s12 =	simm.s32 $0x2800  }
0x6: {  	s16 =	simm.s32 $0x80;
	s17 =	simm.s32 $0x5000;
	s18 =	simm.s32 $0x7000  }
0x7: {  	s19 =	simm.s32 $0x1;
	s20 =	simm.s32 $0x2;
	s21 =	simm.s32 $0x4F00  }
0x8: {  	s22 =	simm.s32 $0x4F80;
	s23 =	simm.s32 $0x10;
	s24 =	simm.s32 $0x8  }
0x9: {  	s25 =	simm.s32 $0x0;
	[smem:$0x7FF] =	sst s4;
	s8 =	smul.u32 $0xA000, s2  }
0xa: {  	s6 =	sand.u32 $0x1, s6;
	s7 =	sshll.u32 s2, $0x1;
	s9 =	smul.u32 $0x14000, s2  }
0xb: {  	s13 =	sshll.u32 s2, $0x6;
	_ =	strace $0x8000004A;
	s7 =	sor.u32 s6, s7  }
0xc: {  	s11 =	sshll.u32 s6, $0x6;
	s6 =	ssub.s32 $0x2, s6;
	s13 =	sor.u32 $0x1C03, s13  }
0xd: {  	s10 =	sshrl.u32 s8, $0x3;
	s7 =	smul.u32 $0x2800, s7;
	s9 =	sor.u32 s11, s9  }
0xe: {  	s31 =	sshrl.u32 s6, $0x1;
	s14 =	sadd.s32 s8, s1;
	s15 =	sadd.s32 s8, s3  }
0xf: {  	s10 =	sadd.s32 s10, s5;
	s9 =	sshrl.u32 s9, $0x3;
	s11 =	ssub.s32 s6, s31  }
0x10: {  	s14 =	sshrl.u32 s14, $0x3;
	s15 =	sshrl.u32 s15, $0x3;
	s7 =	sshrl.u32 s7, $0x3  }
0x11: {  	s9 =	sadd.s32 s9, s5;
	s8 =	sadd.s32 $0x16400, s10;
	s7 =	sadd.s32 s7, s5  }
0x12: {  	s9 =	sadd.s32 $0x3E400, s9;
	s5 =	sadd.s32 $0x2400, s7;
	s6 =	sadd.s32 $0xC400, s7  }
0x13: {  	s7 =	sadd.s32 $0x2A400, s10;
	s10 =	smax.u32 s11, $0x1;
	s11 =	simm.s32 $0x3  }
.LBB2_1:
0x14: {  	[tilespmem:s4], [sflag:$0x3] =	stream.linear.gather [hbm4b:s5+s4], $0x2800, $0x38;
	[tilespmem:$0x1D000] =	vst v63  }
0x15: {  	_ =	swait.ge [sflag:s11], $0x2800  }
0x16: {  	[sflag:s11] =	ssyncset.done $0x0  }
0x17: {  	[sflag:s11] =	ssyncadd.s32 $0xFFFFD800  }
0x18: {  	[tilespmem:s12], [sflag:$0x3] =	stream.linear.gather [hbm4b:s6+s4], $0x2800, $0x38;
	[tilespmem:$0x1D000] =	vst v63  }
0x19: {  	_ =	swait.ge [sflag:s11], $0x2800  }
0x1a: {  	[sflag:s11] =	ssyncset.done $0x0  }
0x1b: {  	[sflag:s11] =	ssyncadd.s32 $0xFFFFD800  }
0x1c: {  	[spmem:s14], [sflag:s13] =	dma.local [hbm:s7], $0x1400  }
0x1d: {  	_ =	swait.ge [sflag:s11], $0x1400  }
0x1e: {  	[sflag:s11] =	ssyncset.done $0x0  }
0x1f: {  	[sflag:s11] =	ssyncadd.s32 $0xFFFFEC00  }
0x20: {  	[spmem:s15], [sflag:s13] =	dma.local [hbm:s8], $0x1400  }
0x21: {  	_ =	swait.ge [sflag:s11], $0x1400  }
0x22: {  	[sflag:s11] =	ssyncset.done $0x0  }
0x23: {  	[sflag:s11] =	ssyncadd.s32 $0xFFFFEC00  }
0x24: {  	[bflag:$0x0] =	sbarrier.arrive $0xFFFF  }
0x25: {  	[tilespmem:s17], [sflag:$0x1] =	stream.indirect.gather [spmem:s3], $0x40, s4, s16, $0xb8;
	[tilespmem:$0x1D000] =	vst v63  }
0x26: {  	_ = 	snop  }
0x27: {  	[tilespmem:s18], [sflag:$0x2] =	stream.indirect.gather [spmem:s3], $0x40, s16, s16, $0xb8;
	[tilespmem:$0x1D000] =	vst v63  }
0x28: {  	_ =	swait.ge [sflag:s19], $0x2000  }
0x29: {  	[sflag:s19] =	ssyncset.done $0x0  }
0x2a: {  	s26 =	simm.s32 $0x2800;
	[sflag:s19] =	ssyncadd.s32 $0xFFFFE000  }
0x2b: {  	[spmem:s1] =	stream.indirect.scatter.add.f32 [tilespmem:s17], [sflag:$0x3], $0x40, s26, s16, $0xb8;
	[tilespmem:$0x1D000] =	vst v63  }
0x2c: {  	_ =	swait.ge [sflag:s11], $0x2000  }
0x2d: {  	[sflag:s11] =	ssyncset.done $0x0  }
0x2e: {  	s30 =	simm.s32 $0x100;
	[sflag:s11] =	ssyncadd.s32 $0xFFFFE000  }
0x2f: {  	[tilespmem:s17], [sflag:$0x1] =	stream.indirect.gather [spmem:s3], $0x40, s30, s16, $0xb8;
	[tilespmem:$0x1D000] =	vst v63  }
0x30: {  	_ =	swait.ge [sflag:s20], $0x2000  }
0x31: {  	[sflag:s20] =	ssyncset.done $0x0  }
0x32: {  	s31 =	simm.s32 $0x2880;
	[sflag:s20] =	ssyncadd.s32 $0xFFFFE000  }
0x33: {  	[spmem:s1] =	stream.indirect.scatter.add.f32 [tilespmem:s18], [sflag:$0x3], $0x40, s31, s16, $0xb8;
	[tilespmem:$0x1D000] =	vst v63  }
0x34: {  	_ =	swait.ge [sflag:s11], $0x2000  }
0x35: {  	[sflag:s11] =	ssyncset.done $0x0  }
0x36: {  	s28 =	simm.s32 $0x180;
	s26 =	simm.s32 $0x400;
	[sflag:s11] =	ssyncadd.s32 $0xFFFFE000  }
.LBB2_2:
0x37: {  	[tilespmem:s18], [sflag:$0x2] =	stream.indirect.gather [spmem:s3], $0x40, s28, s16, $0xb8;
	[tilespmem:$0x1D000] =	vst v63  }
0x38: {  	s28 =	smov.u32 s26  }
0x39: {  	p0 =	sne.s32 s26, $0x9800;
	s26 =	sadd.s32 $0x400, s26;
	_ =	swait.ge [sflag:s19], $0x2000  }
0x3a: {  	s28 =	sshra.s32 s28, $0x2;
	[sflag:s19] =	ssyncset.done $0x0  }
0x3b: {  	s29 =	sadd.s32 $0x2800, s28;
	[sflag:s19] =	ssyncadd.s32 $0xFFFFE000  }
0x3c: {  	[spmem:s1] =	stream.indirect.scatter.add.f32 [tilespmem:s17], [sflag:$0x3], $0x40, s29, s16, $0xb8;
	[tilespmem:$0x1D000] =	vst v63  }
0x3d: {  	_ =	swait.ge [sflag:s11], $0x2000  }
0x3e: {  	[sflag:s11] =	ssyncset.done $0x0  }
0x3f: {  	s29 =	sadd.s32 $0x100, s28;
	[sflag:s11] =	ssyncadd.s32 $0xFFFFE000  }
0x40: {  	[tilespmem:s17], [sflag:$0x1] =	stream.indirect.gather [spmem:s3], $0x40, s29, s16, $0xb8;
	[tilespmem:$0x1D000] =	vst v63  }
0x41: {  	_ =	swait.ge [sflag:s20], $0x2000  }
0x42: {  	[sflag:s20] =	ssyncset.done $0x0  }
.Ltmp0:
0x43: {  	s29 =	sadd.s32 $0x2880, s28;
	[sflag:s20] =	ssyncadd.s32 $0xFFFFE000;
	(pc) =	sbr.rel @p0 .LBB2_2-.Ltmp0, $4  }
0x44: {  	[spmem:s1] =	stream.indirect.scatter.add.f32 [tilespmem:s18], [sflag:$0x3], $0x40, s29, s16, $0xb8;
	[tilespmem:$0x1D000] =	vst v63  }
0x45: {  	_ =	swait.ge [sflag:s11], $0x2000  }
0x46: {  	[sflag:s11] =	ssyncset.done $0x0  }
0x47: {  	s28 =	sadd.s32 $0x180, s28;
	[sflag:s11] =	ssyncadd.s32 $0xFFFFE000  }
0x48: {  	[tilespmem:s18], [sflag:$0x2] =	stream.indirect.gather [spmem:s3], $0x40, s28, s16, $0xb8;
	[tilespmem:$0x1D000] =	vst v63  }
0x49: {  	_ =	swait.ge [sflag:s19], $0x2000  }
0x4a: {  	[sflag:s19] =	ssyncset.done $0x0  }
0x4b: {  	[sflag:s19] =	ssyncadd.s32 $0xFFFFE000  }
0x4c: {  	[spmem:s1] =	stream.indirect.scatter.add.f32 [tilespmem:s17], [sflag:$0x3], $0x40, s21, s16, $0xb8;
	[tilespmem:$0x1D000] =	vst v63  }
0x4d: {  	_ =	swait.ge [sflag:s11], $0x2000  }
0x4e: {  	[sflag:s11] =	ssyncset.done $0x0  }
0x4f: {  	[sflag:s11] =	ssyncadd.s32 $0xFFFFE000  }
0x50: {  	_ =	swait.ge [sflag:s20], $0x2000  }
0x51: {  	[sflag:s20] =	ssyncset.done $0x0  }
0x52: {  	[sflag:s20] =	ssyncadd.s32 $0xFFFFE000  }
0x53: {  	[spmem:s1] =	stream.indirect.scatter.add.f32 [tilespmem:s18], [sflag:$0x3], $0x40, s22, s16, $0xb8;
	[tilespmem:$0x1D000] =	vst v63  }
0x54: {  	_ =	swait.ge [sflag:s11], $0x2000  }
0x55: {  	s25 =	sadd.s32 $0x1, s25;
	[sflag:s11] =	ssyncset.done $0x0  }
0x56: {  	p0 =	sne.s32 s25, s10;
	[sflag:s11] =	ssyncadd.s32 $0xFFFFE000  }
.Ltmp1:
0x57: {  	[bflag:$0x0] =	sbarrier.arrive $0xFFFF;
	(pc) =	sbr.rel @p0 .LBB2_1-.Ltmp1, $4  }
0x58: {  	[hbm:s9@s23], [sflag:s13] =	dma.strided [spmem:s14@s24], $0x1400, s19, $0x8   }
0x59: {  	_ =	swait.ge [sflag:s11], $0x1400  }
0x5a: {  	[sflag:s11] =	ssyncset.done $0x0  }
0x5b: {  	[sflag:s11] =	ssyncadd.s32 $0xFFFFEC00  }
0x5c: {  	_ =	sfence.sel $0x180000  }
0x5d: {  	[bflag:$0x0] =	sbarrier.arrive $0xFFFF  }
0x5e: {  	p0 =	sne.s32 s2, $0x0;
	_ =	strace $0x9000004A  }
0x5f: {  	s0 =	sadd.s32 @!p0 $0x100000, s0;
	[bflag:$0x2] =	sbarrier.arrive $0xFFFF  }
0x60: {  	[sflag:s0] =	ssyncadd.tile.s32 @!p0 $0x1;
	_ =	shalt  }
.Lfunc_end2:
_tile_overlayer_lowered:
.L_overlay_start_2:
0x61: {  	(tag) =	ssettag $0x2  }
0x62: {  	s0 =	rddreg [dreg:$0x0];
	s2 =	stileid.u32  }
0x63: {  	s1 =	rddreg [dreg:$0x1];
	p0 =	sne.s32 s2, $0x0  }
0x64: {  	s3 =	rddreg [dreg:$0x2];
	[bflag:$0x3] =	sbarrier.arrive $0xFFFF;
	s2 =	simm.s32 @!p0 $0x1C03  }
0x65: {  	[timem:s3], [sflag:s2] =	dma.local @!p0 [hbm:s0], s1  }
0x66: {  	s0 =	simm.s32 @!p0 $0x3  }
0x67: {  	_ =	swait.ge @!p0 [sflag:s0], s1  }
0x68: {  	s1 =	ssub.s32 @!p0 $0x0, s1;
	[sflag:s0] =	ssyncset.done @!p0 $0x0  }
0x69: {  	[sflag:s0] =	ssyncadd.s32 @!p0 s1  }
0x6a: {  	[bflag:$0x3] =	sbarrier.arrive $0xFFFF  }
0x6b: {  	_ =	shalt  }

// kernel: kernel.15.cloned.1.call-start
scs
__scs_entry_jumppad:
0x0: {  	(pc) =	sbr.rel $0x88, $3  }
0x1: {  	(tag) =	ssettag $0x0;
	lr =	simm.s32 $0x1  }
0x2: {  	[smem:$0x3F99] =	sst lr;
	_ =	strace $0xD0000000  }
0x3: {  	_ = 	snop  }
0x4: {  	_ = 	snop  }
0x5: {  	_ = 	snop  }
0x6: {  	_ = 	snop  }
0x7: {  	_ = 	snop  }
__scs_overlays_trampoline_lowered:
0x8: {  	[smem:$0x3FA8] =	sst s0  }
0x9: {  	[smem:$0x3FA9] =	sst s1  }
0xa: {  	[smem:$0x3FAA] =	sst s2  }
0xb: {  	[smem:$0x3FAB] =	sst s3  }
0xc: {  	[smem:$0x3FAC] =	sst s4  }
0xd: {  	[smem:$0x3FAD] =	sst s5  }
0xe: {  	[smem:$0x3FAE] =	sst s6  }
0xf: {  	[smem:$0x3FAF] =	sst s7  }
0x10: {  	[smem:$0x3FB0] =	sst s8  }
0x11: {  	[smem:$0x3FB1] =	sst s9;
	s0 =	simm.s32 @!p0 $0x0  }
0x12: {  	s1 =	sld [smem:$0x3F97];
	s0 =	simm.s32 @p0 $0x1  }
0x13: {  	[smem:$0x3FB2] =	sst s0;
	s0 =	simm.s32 @!p1 $0x0  }
0x14: {  	s2 =	sld [smem:$0x3F96];
	s0 =	simm.s32 @p1 $0x1  }
0x15: {  	[smem:$0x3FB3] =	sst s0;
	s0 =	simm.s32 @!p2 $0x0  }
0x16: {  	s3 =	sld [smem:$0x3FDB];
	s0 =	simm.s32 @p2 $0x1  }
0x17: {  	s4 =	simm.s32 $0x1BF5;
	[smem:$0x3FB5] =	sst s0  }
0x18: {  	s0 =	sld [smem:$0x3F98];
	_ =	swait.ge [sflag:s4], $0x0  }
0x19: {  	s7 =	sld [smem:$0x3F99]  }
0x1a: {  	s8 =	sadd.s32 $0xFFFFE003, lr  }
0x1b: {  	s9 =	sadd.s32 $0xFFFFFEF7, lr;
	s5 =	simm.s32 $0xFFFFFFFF;
	p2 =	slt.u32 s8, $0xFFFFF086  }
0x1c: {  	p1 =	slt.u32 s9, $0xF7A;
	s5 =	simm.s32 @!p2 $0x0  }
0x1d: {  	s5 =	simm.s32 @p1 $0x1;
	p0 =	seq.s32 s7, s2  }
0x1e: {  	s7 =	smul.u32 @!p0 $0xF7A, s2;
	p2 =	seq.s32 @!p0 s5, $0x0  }
0x1f: {  	s9 =	smul.u32 $0xF7A, s1;
	s8 =	simm.s32 @!p0 $0x1BF5;
	p2 =	por !p2, p0  }
0x20: {  	[sflag:s8] =	ssyncset.s32 @!p0 $0xFFFFF086;
	s6 =	sadd.s32 @!p0 s3, s7;
	s7 =	simm.s32 @!p0 $0x108  }
0x21: {  	s3 =	sadd.s32 s3, s9;
	s6 =	sadd.s32 @!p0 $0x88, s6;
	s7 =	simm.s32 @p2 $0x1082  }
0x22: {  	[simem:s7], [sflag:s8] =	dma.local @!p0 [hbm:s6], $0xF7A  }
0x23: {  	s9 =	sor.u32 $0xD0000000, s2;
	s6 =	simm.s32 $0x108;
	_ =	swait.ge @!p0 [sflag:s8], $0x0  }
0x24: {  	s3 =	sadd.s32 $0x88, s3;
	s6 =	simm.s32 @!p1 $0x1082;
	[sflag:s4] =	ssyncset.s32 $0xFFFFF086  }
0x25: {  	[simem:s6], [sflag:s4] =	dma.local [hbm:s3], $0xF7A  }
0x26: {  	[smem:$0x3F99] =	sst s1;
	(tag) =	ssettag s2;
	_ =	strace s9  }
0x27: {  	s1 =	sld [smem:$0x3FA9]  }
0x28: {  	s2 =	sld [smem:$0x3FAA]  }
0x29: {  	s4 =	sld [smem:$0x3FAC]  }
0x2a: {  	p0 =	seq.s32 s5, $0x0;
	s5 =	sld [smem:$0x3FAD]  }
0x2b: {  	s6 =	sld [smem:$0x3FAE]  }
0x2c: {  	s7 =	sld [smem:$0x3FAF]  }
0x2d: {  	s3 =	simm.s32 $0x108;
	s8 =	sld [smem:$0x3FB0]  }
0x2e: {  	s3 =	simm.s32 @!p0 $0x1082;
	s9 =	sld [smem:$0x3FB1]  }
0x2f: {  	lr =	sadd.s32 s0, s3;
	s0 =	sld [smem:$0x3FA8]  }
0x30: {  	s3 =	sld [smem:$0x3FAB]  }
0x31: {  	[smem:$0x3FB4] =	sst s10  }
0x32: {  	s10 =	sld [smem:$0x3FB2];
	_ =	sdelay $0x3  }
0x33: {  	p0 =	seq.s32 s10, $0x1;
	s10 =	sld [smem:$0x3FB4];
	_ =	sdelay $0x3  }
0x34: {  	[smem:$0x3FB4] =	sst s10  }
0x35: {  	s10 =	sld [smem:$0x3FB3];
	_ =	sdelay $0x3  }
0x36: {  	p1 =	seq.s32 s10, $0x1;
	s10 =	sld [smem:$0x3FB4];
	_ =	sdelay $0x3  }
0x37: {  	[smem:$0x3FB4] =	sst s10  }
0x38: {  	s10 =	sld [smem:$0x3FB5]  }
0x39: {  	_ = 	snop;
	(pc) =	sbr.ind lr, $3  }
0x3a: {  	_ = 	snop  }
0x3b: {  	_ = 	snop  }
0x3c: {  	p2 =	seq.s32 s10, $0x1;
	s10 =	sld [smem:$0x3FB4]  }
0x3d: {  	_ =	shalt  }
0x3e: {  	_ =	shalt  }
0x3f: {  	_ =	shalt  }
0x40: {  	_ =	shalt  }
0x41: {  	_ =	shalt  }
0x42: {  	_ =	shalt  }
0x43: {  	_ =	shalt  }
0x44: {  	_ =	shalt  }
0x45: {  	_ =	shalt  }
0x46: {  	_ =	shalt  }
0x47: {  	_ =	shalt  }
0x48: {  	_ =	shalt  }
0x49: {  	_ =	shalt  }
0x4a: {  	_ =	shalt  }
0x4b: {  	_ =	shalt  }
0x4c: {  	_ =	shalt  }
0x4d: {  	_ =	shalt  }
0x4e: {  	_ =	shalt  }
0x4f: {  	_ =	shalt  }
0x50: {  	_ =	shalt  }
0x51: {  	_ =	shalt  }
0x52: {  	_ =	shalt  }
0x53: {  	_ =	shalt  }
0x54: {  	_ =	shalt  }
0x55: {  	_ =	shalt  }
0x56: {  	_ =	shalt  }
0x57: {  	_ =	shalt  }
0x58: {  	_ =	shalt  }
0x59: {  	_ =	shalt  }
0x5a: {  	_ =	shalt  }
0x5b: {  	_ =	shalt  }
0x5c: {  	_ =	shalt  }
0x5d: {  	_ =	shalt  }
0x5e: {  	_ =	shalt  }
0x5f: {  	_ =	shalt  }
0x60: {  	_ =	shalt  }
0x61: {  	_ =	shalt  }
0x62: {  	_ =	shalt  }
0x63: {  	_ =	shalt  }
0x64: {  	_ =	shalt  }
0x65: {  	_ =	shalt  }
0x66: {  	_ =	shalt  }
0x67: {  	_ =	shalt  }
0x68: {  	_ =	shalt  }
0x69: {  	_ =	shalt  }
0x6a: {  	_ =	shalt  }
0x6b: {  	_ =	shalt  }
0x6c: {  	_ =	shalt  }
0x6d: {  	_ =	shalt  }
0x6e: {  	_ =	shalt  }
0x6f: {  	_ =	shalt  }
0x70: {  	_ =	shalt  }
0x71: {  	_ =	shalt  }
0x72: {  	_ =	shalt  }
0x73: {  	_ =	shalt  }
0x74: {  	_ =	shalt  }
0x75: {  	_ =	shalt  }
0x76: {  	_ =	shalt  }
0x77: {  	_ =	shalt  }
0x78: {  	_ =	shalt  }
0x79: {  	_ =	shalt  }
0x7a: {  	_ =	shalt  }
0x7b: {  	_ =	shalt  }
0x7c: {  	_ =	shalt  }
0x7d: {  	_ =	shalt  }
0x7e: {  	_ =	shalt  }
0x7f: {  	_ =	shalt  }
0x80: {  	_ =	shalt  }
0x81: {  	_ =	shalt  }
0x82: {  	_ =	shalt  }
0x83: {  	_ =	shalt  }
0x84: {  	_ =	shalt  }
0x85: {  	_ =	shalt  }
0x86: {  	_ =	shalt  }
0x87: {  	_ =	shalt  }
.Lfunc_end0:
.L_simem_size_0:
called_computation.2_lowered:
.L_overlay_start_0:
0x88: {  	s2 =	sld [smem:$0x3FD9]  }
0x89: {  	s3 =	sld [smem:$0x3FFE];
	_ =	sdelay $0x1  }
0x8a: {  	s1 =	srdreg.scid  }
0x8b: {  	s0 =	sand.u32 $0x1, s1  }
0x8c: {  	s16 =	sshll.u32 s0, $0xA;
	s2 =	sadd.s32 s3, s2  }
0x8d: {  	s2 =	sadd.s32 s2, s16  }
0x8e: {  	[smem:$0x3FC0] =	sst s2  }
0x8f: {  	_ = 	snop  }
0x90: {  	(tm) =	ssettm $0x1  }
0x91: {  	s17 =	sld [smem:$0x3FFB];
	_ =	sdelay $0x3  }
0x92: {  	_ =	strace s17  }
0x93: {  	s2 =	sld [smem:$0x3FFC];
	_ =	sdelay $0x3  }
0x94: {  	_ =	strace s2  }
0x95: {  	s2 =	sld [smem:$0x3FFD];
	_ =	sdelay $0x3  }
0x96: {  	_ =	strace s2  }
0x97: {  	_ =	strace $0x8FFFFFFF  }
0x98: {  	s18 =	sld [smem:$0x3FDB];
	_ =	sdelay $0x1  }
0x99: {  	s19 =	simm.s32 $_scs_section_size  }
0x9a: {  	s4 =	simm.s32 $_size__tile_overlayer_lowered;
	s5 =	simm.s32 $_tile_overlayer_lowered  }
0x9b: {  	s22 =	simm.s32 $0x1BFF;
	s21 =	sshll.u32 s5, $0x1;
	s2 =	sadd.s32 s19, s18  }
0x9c: {  	s6 =	simm.s32 $0x0;
	s20 =	sshll.u32 s4, $0x1;
	s4 =	sadd.s32 s21, s2  }
0x9d: {  	[timem:s6], [sflag:s22] =	dma.local [hbm:s4], s20  }
0x9e: {  	_ =	swait.ge [sflag:s22], s20  }
0x9f: {  	s3 =	ssub.s32 $0x0, s20;
	[sflag:s22] =	ssyncset.done $0x0  }
0xa0: {  	[sflag:s22] =	ssyncadd.s32 s3;
	_ =	sdelay $0x1  }
0xa1: {  	s23 =	simm.s32 $0x1B8B  }
0xa2: {  	_ =	swait.ge [sflag:s23], $0x1  }
0xa3: {  	[sflag:s23] =	ssyncset.done $0x0  }
0xa4: {  	s25 =	simm.s32 $0x1B8E;
	s24 =	sld [smem:$0x3FFE];
	[sflag:s23] =	ssyncadd.s32 $0xFFFFFFFF  }
0xa5: {  	s26 =	simm.s32 $execute0_lowered;
	[smem:$0x3FD2] =	sst s25  }
0xa6: {  	s4 =	sshll.u32 s26, $0x1;
	_ =	strace $0x8000004C;
	[dreg:$0x1] =	wrdreg $0xFFFFFFFF  }
0xa7: {  	s28 =	simm.s32 $_size_execute0_lowered;
	s2 =	sadd.s32 s2, s4;
	[dreg:$0x0] =	wrdreg $0x0  }
0xa8: {  	s4 =	sshll.u32 s28, $0x1;
	[dreg:$0x2] =	wrdreg s2  }
0xa9: {  	[dreg:$0x3] =	wrdreg s4  }
0xaa: {  	[dreg:$0x4] =	wrdreg $0xC0  }
0xab: {  	_ =	task [dreg:s6], $0x5FFFF  }
0xac: {  	[dreg:$0x1] =	wrdreg $0xFFFFFFFF  }
0xad: {  	[dreg:$0x0] =	wrdreg $0x60  }
0xae: {  	[dreg:$0x2] =	wrdreg s24  }
0xaf: {  	[dreg:$0x3] =	wrdreg $0x90000  }
0xb0: {  	[dreg:$0x4] =	wrdreg $0x130000  }
0xb1: {  	[dreg:$0x5] =	wrdreg $0x9  }
0xb2: {  	_ =	task.clear_ibuf [dreg:s6], $0x6FFFF;
	_ =	strace $0x9000004C  }
0xb3: {  	s29 =	simm.s32 $0x9;
	_ =	strace $0x8000004E  }
0xb4: {  	_ =	swait.ge [sflag:s29], $0x1  }
0xb5: {  	[sflag:s29] =	ssyncadd.s32 $0xFFFFFFFF  }
0xb6: {  	_ =	strace $0x9000004E  }
0xb7: {  	_ =	sfence  }
0xb8: {  	s30 =	sld [smem:$0x0];
	_ =	sdelay $0x2  }
0xb9: {  	s31 =	sshll.u32 s1, $0xD;
	s1 =	sshrl.u32 s1, $0x2  }
0xba: {  	s3 =	sand.u32 $0x4000, s31;
	s1 =	sadd.s32 s1, s30  }
0xbb: {  	s0 =	sor.u32 s3, s0;
	s1 =	sshll.u32 s1, $0x11  }
0xbc: {  	s0 =	sor.u32 s1, s0  }
0xbd: {  	s0 =	sadd.s32 $0x8F2B, s0  }
0xbe: {  	[sflag:s0] =	ssyncadd.remote.s32 $0x1  }
0xbf: {  	_ =	sfence.sel $0xFFFF  }
0xc0: {  	[dreg:$0x0] =	wrdreg $0xFFFFFFFF;
	(pc) =	sbr.abs _section_cstart, $3  }
0xc1: {  	[dreg:$0x1] =	wrdreg $0xFFFFFFFF  }
0xc2: {  	_ =	task.clear_ibuf [dreg:s6], $0x2FFFF;
	_ =	strace $0x9FFFFFFF  }
0xc3: {  	(tm) =	ssettm $0x7FFFFFFF  }
tec
execute0_lowered:
.L_overlay_start_1:
0x0: {  	(tag) =	ssettag $0x1  }
0x1: {  	s5 =	rddreg [dreg:$0x0]  }
0x2: {  	s1 =	rddreg [dreg:$0x1]  }
0x3: {  	s3 =	rddreg [dreg:$0x2]  }
0x4: {  	s0 =	rddreg [dreg:$0x3];
	s4 =	simm.s32 $0x0  }
0x5: {  	s2 =	stileid.u32;
	s6 =	srdreg.scid;
	s12 =	simm.s32 $0x2800  }
0x6: {  	s16 =	simm.s32 $0x80;
	s17 =	simm.s32 $0x5000;
	s18 =	simm.s32 $0x7000  }
0x7: {  	s19 =	simm.s32 $0x1;
	s20 =	simm.s32 $0x2;
	s21 =	simm.s32 $0x4F00  }
0x8: {  	s22 =	simm.s32 $0x4F80;
	s23 =	simm.s32 $0x10;
	s24 =	simm.s32 $0x8  }
0x9: {  	s25 =	simm.s32 $0x0;
	[smem:$0x7FF] =	sst s4;
	s8 =	smul.u32 $0xA000, s2  }
0xa: {  	s6 =	sand.u32 $0x1, s6;
	s7 =	sshll.u32 s2, $0x1;
	s9 =	smul.u32 $0x14000, s2  }
0xb: {  	s13 =	sshll.u32 s2, $0x6;
	_ =	strace $0x8000004D;
	s7 =	sor.u32 s6, s7  }
0xc: {  	s11 =	sshll.u32 s6, $0x6;
	s6 =	ssub.s32 $0x2, s6;
	s13 =	sor.u32 $0x1C03, s13  }
0xd: {  	s10 =	sshrl.u32 s8, $0x3;
	s7 =	smul.u32 $0x2800, s7;
	s9 =	sor.u32 s11, s9  }
0xe: {  	s31 =	sshrl.u32 s6, $0x1;
	s14 =	sadd.s32 s8, s1;
	s15 =	sadd.s32 s8, s3  }
0xf: {  	s10 =	sadd.s32 s10, s5;
	s9 =	sshrl.u32 s9, $0x3;
	s11 =	ssub.s32 s6, s31  }
0x10: {  	s14 =	sshrl.u32 s14, $0x3;
	s15 =	sshrl.u32 s15, $0x3;
	s7 =	sshrl.u32 s7, $0x3  }
0x11: {  	s9 =	sadd.s32 s9, s5;
	s8 =	sadd.s32 $0x16400, s10;
	s7 =	sadd.s32 s7, s5  }
0x12: {  	s9 =	sadd.s32 $0x3E400, s9;
	s5 =	sadd.s32 $0x2400, s7;
	s6 =	sadd.s32 $0xC400, s7  }
0x13: {  	s7 =	sadd.s32 $0x2A400, s10;
	s10 =	smax.u32 s11, $0x1;
	s11 =	simm.s32 $0x3  }
.LBB2_1:
0x14: {  	[tilespmem:s4], [sflag:$0x3] =	stream.linear.gather [hbm4b:s5+s4], $0x2800, $0x38;
	[tilespmem:$0x1D000] =	vst v63  }
0x15: {  	_ =	swait.ge [sflag:s11], $0x2800  }
0x16: {  	[sflag:s11] =	ssyncset.done $0x0  }
0x17: {  	[sflag:s11] =	ssyncadd.s32 $0xFFFFD800  }
0x18: {  	[tilespmem:s12], [sflag:$0x3] =	stream.linear.gather [hbm4b:s6+s4], $0x2800, $0x38;
	[tilespmem:$0x1D000] =	vst v63  }
0x19: {  	_ =	swait.ge [sflag:s11], $0x2800  }
0x1a: {  	[sflag:s11] =	ssyncset.done $0x0  }
0x1b: {  	[sflag:s11] =	ssyncadd.s32 $0xFFFFD800  }
0x1c: {  	[spmem:s14], [sflag:s13] =	dma.local [hbm:s7], $0x1400  }
0x1d: {  	_ =	swait.ge [sflag:s11], $0x1400  }
0x1e: {  	[sflag:s11] =	ssyncset.done $0x0  }
0x1f: {  	[sflag:s11] =	ssyncadd.s32 $0xFFFFEC00  }
0x20: {  	[spmem:s15], [sflag:s13] =	dma.local [hbm:s8], $0x1400  }
0x21: {  	_ =	swait.ge [sflag:s11], $0x1400  }
0x22: {  	[sflag:s11] =	ssyncset.done $0x0  }
0x23: {  	[sflag:s11] =	ssyncadd.s32 $0xFFFFEC00  }
0x24: {  	[bflag:$0x0] =	sbarrier.arrive $0xFFFF  }
0x25: {  	[tilespmem:s17], [sflag:$0x1] =	stream.indirect.gather [spmem:s3], $0x40, s4, s16, $0xb8;
	[tilespmem:$0x1D000] =	vst v63  }
0x26: {  	_ = 	snop  }
0x27: {  	[tilespmem:s18], [sflag:$0x2] =	stream.indirect.gather [spmem:s3], $0x40, s16, s16, $0xb8;
	[tilespmem:$0x1D000] =	vst v63  }
0x28: {  	_ =	swait.ge [sflag:s19], $0x2000  }
0x29: {  	[sflag:s19] =	ssyncset.done $0x0  }
0x2a: {  	s26 =	simm.s32 $0x2800;
	[sflag:s19] =	ssyncadd.s32 $0xFFFFE000  }
0x2b: {  	[spmem:s1] =	stream.indirect.scatter.add.f32 [tilespmem:s17], [sflag:$0x3], $0x40, s26, s16, $0xb8;
	[tilespmem:$0x1D000] =	vst v63  }
0x2c: {  	_ =	swait.ge [sflag:s11], $0x2000  }
0x2d: {  	[sflag:s11] =	ssyncset.done $0x0  }
0x2e: {  	s30 =	simm.s32 $0x100;
	[sflag:s11] =	ssyncadd.s32 $0xFFFFE000  }
0x2f: {  	[tilespmem:s17], [sflag:$0x1] =	stream.indirect.gather [spmem:s3], $0x40, s30, s16, $0xb8;
	[tilespmem:$0x1D000] =	vst v63  }
0x30: {  	_ =	swait.ge [sflag:s20], $0x2000  }
0x31: {  	[sflag:s20] =	ssyncset.done $0x0  }
0x32: {  	s31 =	simm.s32 $0x2880;
	[sflag:s20] =	ssyncadd.s32 $0xFFFFE000  }
0x33: {  	[spmem:s1] =	stream.indirect.scatter.add.f32 [tilespmem:s18], [sflag:$0x3], $0x40, s31, s16, $0xb8;
	[tilespmem:$0x1D000] =	vst v63  }
0x34: {  	_ =	swait.ge [sflag:s11], $0x2000  }
0x35: {  	[sflag:s11] =	ssyncset.done $0x0  }
0x36: {  	s28 =	simm.s32 $0x180;
	s26 =	simm.s32 $0x400;
	[sflag:s11] =	ssyncadd.s32 $0xFFFFE000  }
.LBB2_2:
0x37: {  	[tilespmem:s18], [sflag:$0x2] =	stream.indirect.gather [spmem:s3], $0x40, s28, s16, $0xb8;
	[tilespmem:$0x1D000] =	vst v63  }
0x38: {  	s28 =	smov.u32 s26  }
0x39: {  	p0 =	sne.s32 s26, $0x9800;
	s26 =	sadd.s32 $0x400, s26;
	_ =	swait.ge [sflag:s19], $0x2000  }
0x3a: {  	s28 =	sshra.s32 s28, $0x2;
	[sflag:s19] =	ssyncset.done $0x0  }
0x3b: {  	s29 =	sadd.s32 $0x2800, s28;
	[sflag:s19] =	ssyncadd.s32 $0xFFFFE000  }
0x3c: {  	[spmem:s1] =	stream.indirect.scatter.add.f32 [tilespmem:s17], [sflag:$0x3], $0x40, s29, s16, $0xb8;
	[tilespmem:$0x1D000] =	vst v63  }
0x3d: {  	_ =	swait.ge [sflag:s11], $0x2000  }
0x3e: {  	[sflag:s11] =	ssyncset.done $0x0  }
0x3f: {  	s29 =	sadd.s32 $0x100, s28;
	[sflag:s11] =	ssyncadd.s32 $0xFFFFE000  }
0x40: {  	[tilespmem:s17], [sflag:$0x1] =	stream.indirect.gather [spmem:s3], $0x40, s29, s16, $0xb8;
	[tilespmem:$0x1D000] =	vst v63  }
0x41: {  	_ =	swait.ge [sflag:s20], $0x2000  }
0x42: {  	[sflag:s20] =	ssyncset.done $0x0  }
.Ltmp0:
0x43: {  	s29 =	sadd.s32 $0x2880, s28;
	[sflag:s20] =	ssyncadd.s32 $0xFFFFE000;
	(pc) =	sbr.rel @p0 .LBB2_2-.Ltmp0, $4  }
0x44: {  	[spmem:s1] =	stream.indirect.scatter.add.f32 [tilespmem:s18], [sflag:$0x3], $0x40, s29, s16, $0xb8;
	[tilespmem:$0x1D000] =	vst v63  }
0x45: {  	_ =	swait.ge [sflag:s11], $0x2000  }
0x46: {  	[sflag:s11] =	ssyncset.done $0x0  }
0x47: {  	s28 =	sadd.s32 $0x180, s28;
	[sflag:s11] =	ssyncadd.s32 $0xFFFFE000  }
0x48: {  	[tilespmem:s18], [sflag:$0x2] =	stream.indirect.gather [spmem:s3], $0x40, s28, s16, $0xb8;
	[tilespmem:$0x1D000] =	vst v63  }
0x49: {  	_ =	swait.ge [sflag:s19], $0x2000  }
0x4a: {  	[sflag:s19] =	ssyncset.done $0x0  }
0x4b: {  	[sflag:s19] =	ssyncadd.s32 $0xFFFFE000  }
0x4c: {  	[spmem:s1] =	stream.indirect.scatter.add.f32 [tilespmem:s17], [sflag:$0x3], $0x40, s21, s16, $0xb8;
	[tilespmem:$0x1D000] =	vst v63  }
0x4d: {  	_ =	swait.ge [sflag:s11], $0x2000  }
0x4e: {  	[sflag:s11] =	ssyncset.done $0x0  }
0x4f: {  	[sflag:s11] =	ssyncadd.s32 $0xFFFFE000  }
0x50: {  	_ =	swait.ge [sflag:s20], $0x2000  }
0x51: {  	[sflag:s20] =	ssyncset.done $0x0  }
0x52: {  	[sflag:s20] =	ssyncadd.s32 $0xFFFFE000  }
0x53: {  	[spmem:s1] =	stream.indirect.scatter.add.f32 [tilespmem:s18], [sflag:$0x3], $0x40, s22, s16, $0xb8;
	[tilespmem:$0x1D000] =	vst v63  }
0x54: {  	_ =	swait.ge [sflag:s11], $0x2000  }
0x55: {  	s25 =	sadd.s32 $0x1, s25;
	[sflag:s11] =	ssyncset.done $0x0  }
0x56: {  	p0 =	sne.s32 s25, s10;
	[sflag:s11] =	ssyncadd.s32 $0xFFFFE000  }
.Ltmp1:
0x57: {  	[bflag:$0x0] =	sbarrier.arrive $0xFFFF;
	(pc) =	sbr.rel @p0 .LBB2_1-.Ltmp1, $4  }
0x58: {  	[hbm:s9@s23], [sflag:s13] =	dma.strided [spmem:s14@s24], $0x1400, s19, $0x8   }
0x59: {  	_ =	swait.ge [sflag:s11], $0x1400  }
0x5a: {  	[sflag:s11] =	ssyncset.done $0x0  }
0x5b: {  	[sflag:s11] =	ssyncadd.s32 $0xFFFFEC00  }
0x5c: {  	_ =	sfence.sel $0x180000  }
0x5d: {  	[bflag:$0x0] =	sbarrier.arrive $0xFFFF  }
0x5e: {  	p0 =	sne.s32 s2, $0x0;
	_ =	strace $0x9000004D  }
0x5f: {  	s0 =	sadd.s32 @!p0 $0x100000, s0;
	[bflag:$0x2] =	sbarrier.arrive $0xFFFF  }
0x60: {  	[sflag:s0] =	ssyncadd.tile.s32 @!p0 $0x1;
	_ =	shalt  }
.Lfunc_end2:
_tile_overlayer_lowered:
.L_overlay_start_2:
0x61: {  	(tag) =	ssettag $0x2  }
0x62: {  	s0 =	rddreg [dreg:$0x0];
	s2 =	stileid.u32  }
0x63: {  	s1 =	rddreg [dreg:$0x1];
	p0 =	sne.s32 s2, $0x0  }
0x64: {  	s3 =	rddreg [dreg:$0x2];
	[bflag:$0x3] =	sbarrier.arrive $0xFFFF;
	s2 =	simm.s32 @!p0 $0x1C03  }
0x65: {  	[timem:s3], [sflag:s2] =	dma.local @!p0 [hbm:s0], s1  }
0x66: {  	s0 =	simm.s32 @!p0 $0x3  }
0x67: {  	_ =	swait.ge @!p0 [sflag:s0], s1  }
0x68: {  	s1 =	ssub.s32 @!p0 $0x0, s1;
	[sflag:s0] =	ssyncset.done @!p0 $0x0  }
0x69: {  	[sflag:s0] =	ssyncadd.s32 @!p0 s1  }
0x6a: {  	[bflag:$0x3] =	sbarrier.arrive $0xFFFF  }
0x6b: {  	_ =	shalt  }

// kernel: kernel.9.cloned.1.call-start
scs
__scs_entry_jumppad:
0x0: {  	(pc) =	sbr.rel $0x88, $3  }
0x1: {  	(tag) =	ssettag $0x0;
	lr =	simm.s32 $0x1  }
0x2: {  	[smem:$0x3F99] =	sst lr;
	_ =	strace $0xD0000000  }
0x3: {  	_ = 	snop  }
0x4: {  	_ = 	snop  }
0x5: {  	_ = 	snop  }
0x6: {  	_ = 	snop  }
0x7: {  	_ = 	snop  }
__scs_overlays_trampoline_lowered:
0x8: {  	[smem:$0x3FA8] =	sst s0  }
0x9: {  	[smem:$0x3FA9] =	sst s1  }
0xa: {  	[smem:$0x3FAA] =	sst s2  }
0xb: {  	[smem:$0x3FAB] =	sst s3  }
0xc: {  	[smem:$0x3FAC] =	sst s4  }
0xd: {  	[smem:$0x3FAD] =	sst s5  }
0xe: {  	[smem:$0x3FAE] =	sst s6  }
0xf: {  	[smem:$0x3FAF] =	sst s7  }
0x10: {  	[smem:$0x3FB0] =	sst s8  }
0x11: {  	[smem:$0x3FB1] =	sst s9;
	s0 =	simm.s32 @!p0 $0x0  }
0x12: {  	s1 =	sld [smem:$0x3F97];
	s0 =	simm.s32 @p0 $0x1  }
0x13: {  	[smem:$0x3FB2] =	sst s0;
	s0 =	simm.s32 @!p1 $0x0  }
0x14: {  	s2 =	sld [smem:$0x3F96];
	s0 =	simm.s32 @p1 $0x1  }
0x15: {  	[smem:$0x3FB3] =	sst s0;
	s0 =	simm.s32 @!p2 $0x0  }
0x16: {  	s3 =	sld [smem:$0x3FDB];
	s0 =	simm.s32 @p2 $0x1  }
0x17: {  	s4 =	simm.s32 $0x1BF5;
	[smem:$0x3FB5] =	sst s0  }
0x18: {  	s0 =	sld [smem:$0x3F98];
	_ =	swait.ge [sflag:s4], $0x0  }
0x19: {  	s7 =	sld [smem:$0x3F99]  }
0x1a: {  	s8 =	sadd.s32 $0xFFFFE003, lr  }
0x1b: {  	s9 =	sadd.s32 $0xFFFFFEF7, lr;
	s5 =	simm.s32 $0xFFFFFFFF;
	p2 =	slt.u32 s8, $0xFFFFF086  }
0x1c: {  	p1 =	slt.u32 s9, $0xF7A;
	s5 =	simm.s32 @!p2 $0x0  }
0x1d: {  	s5 =	simm.s32 @p1 $0x1;
	p0 =	seq.s32 s7, s2  }
0x1e: {  	s7 =	smul.u32 @!p0 $0xF7A, s2;
	p2 =	seq.s32 @!p0 s5, $0x0  }
0x1f: {  	s9 =	smul.u32 $0xF7A, s1;
	s8 =	simm.s32 @!p0 $0x1BF5;
	p2 =	por !p2, p0  }
0x20: {  	[sflag:s8] =	ssyncset.s32 @!p0 $0xFFFFF086;
	s6 =	sadd.s32 @!p0 s3, s7;
	s7 =	simm.s32 @!p0 $0x108  }
0x21: {  	s3 =	sadd.s32 s3, s9;
	s6 =	sadd.s32 @!p0 $0x88, s6;
	s7 =	simm.s32 @p2 $0x1082  }
0x22: {  	[simem:s7], [sflag:s8] =	dma.local @!p0 [hbm:s6], $0xF7A  }
0x23: {  	s9 =	sor.u32 $0xD0000000, s2;
	s6 =	simm.s32 $0x108;
	_ =	swait.ge @!p0 [sflag:s8], $0x0  }
0x24: {  	s3 =	sadd.s32 $0x88, s3;
	s6 =	simm.s32 @!p1 $0x1082;
	[sflag:s4] =	ssyncset.s32 $0xFFFFF086  }
0x25: {  	[simem:s6], [sflag:s4] =	dma.local [hbm:s3], $0xF7A  }
0x26: {  	[smem:$0x3F99] =	sst s1;
	(tag) =	ssettag s2;
	_ =	strace s9  }
0x27: {  	s1 =	sld [smem:$0x3FA9]  }
0x28: {  	s2 =	sld [smem:$0x3FAA]  }
0x29: {  	s4 =	sld [smem:$0x3FAC]  }
0x2a: {  	p0 =	seq.s32 s5, $0x0;
	s5 =	sld [smem:$0x3FAD]  }
0x2b: {  	s6 =	sld [smem:$0x3FAE]  }
0x2c: {  	s7 =	sld [smem:$0x3FAF]  }
0x2d: {  	s3 =	simm.s32 $0x108;
	s8 =	sld [smem:$0x3FB0]  }
0x2e: {  	s3 =	simm.s32 @!p0 $0x1082;
	s9 =	sld [smem:$0x3FB1]  }
0x2f: {  	lr =	sadd.s32 s0, s3;
	s0 =	sld [smem:$0x3FA8]  }
0x30: {  	s3 =	sld [smem:$0x3FAB]  }
0x31: {  	[smem:$0x3FB4] =	sst s10  }
0x32: {  	s10 =	sld [smem:$0x3FB2];
	_ =	sdelay $0x3  }
0x33: {  	p0 =	seq.s32 s10, $0x1;
	s10 =	sld [smem:$0x3FB4];
	_ =	sdelay $0x3  }
0x34: {  	[smem:$0x3FB4] =	sst s10  }
0x35: {  	s10 =	sld [smem:$0x3FB3];
	_ =	sdelay $0x3  }
0x36: {  	p1 =	seq.s32 s10, $0x1;
	s10 =	sld [smem:$0x3FB4];
	_ =	sdelay $0x3  }
0x37: {  	[smem:$0x3FB4] =	sst s10  }
0x38: {  	s10 =	sld [smem:$0x3FB5]  }
0x39: {  	_ = 	snop;
	(pc) =	sbr.ind lr, $3  }
0x3a: {  	_ = 	snop  }
0x3b: {  	_ = 	snop  }
0x3c: {  	p2 =	seq.s32 s10, $0x1;
	s10 =	sld [smem:$0x3FB4]  }
0x3d: {  	_ =	shalt  }
0x3e: {  	_ =	shalt  }
0x3f: {  	_ =	shalt  }
0x40: {  	_ =	shalt  }
0x41: {  	_ =	shalt  }
0x42: {  	_ =	shalt  }
0x43: {  	_ =	shalt  }
0x44: {  	_ =	shalt  }
0x45: {  	_ =	shalt  }
0x46: {  	_ =	shalt  }
0x47: {  	_ =	shalt  }
0x48: {  	_ =	shalt  }
0x49: {  	_ =	shalt  }
0x4a: {  	_ =	shalt  }
0x4b: {  	_ =	shalt  }
0x4c: {  	_ =	shalt  }
0x4d: {  	_ =	shalt  }
0x4e: {  	_ =	shalt  }
0x4f: {  	_ =	shalt  }
0x50: {  	_ =	shalt  }
0x51: {  	_ =	shalt  }
0x52: {  	_ =	shalt  }
0x53: {  	_ =	shalt  }
0x54: {  	_ =	shalt  }
0x55: {  	_ =	shalt  }
0x56: {  	_ =	shalt  }
0x57: {  	_ =	shalt  }
0x58: {  	_ =	shalt  }
0x59: {  	_ =	shalt  }
0x5a: {  	_ =	shalt  }
0x5b: {  	_ =	shalt  }
0x5c: {  	_ =	shalt  }
0x5d: {  	_ =	shalt  }
0x5e: {  	_ =	shalt  }
0x5f: {  	_ =	shalt  }
0x60: {  	_ =	shalt  }
0x61: {  	_ =	shalt  }
0x62: {  	_ =	shalt  }
0x63: {  	_ =	shalt  }
0x64: {  	_ =	shalt  }
0x65: {  	_ =	shalt  }
0x66: {  	_ =	shalt  }
0x67: {  	_ =	shalt  }
0x68: {  	_ =	shalt  }
0x69: {  	_ =	shalt  }
0x6a: {  	_ =	shalt  }
0x6b: {  	_ =	shalt  }
0x6c: {  	_ =	shalt  }
0x6d: {  	_ =	shalt  }
0x6e: {  	_ =	shalt  }
0x6f: {  	_ =	shalt  }
0x70: {  	_ =	shalt  }
0x71: {  	_ =	shalt  }
0x72: {  	_ =	shalt  }
0x73: {  	_ =	shalt  }
0x74: {  	_ =	shalt  }
0x75: {  	_ =	shalt  }
0x76: {  	_ =	shalt  }
0x77: {  	_ =	shalt  }
0x78: {  	_ =	shalt  }
0x79: {  	_ =	shalt  }
0x7a: {  	_ =	shalt  }
0x7b: {  	_ =	shalt  }
0x7c: {  	_ =	shalt  }
0x7d: {  	_ =	shalt  }
0x7e: {  	_ =	shalt  }
0x7f: {  	_ =	shalt  }
0x80: {  	_ =	shalt  }
0x81: {  	_ =	shalt  }
0x82: {  	_ =	shalt  }
0x83: {  	_ =	shalt  }
0x84: {  	_ =	shalt  }
0x85: {  	_ =	shalt  }
0x86: {  	_ =	shalt  }
0x87: {  	_ =	shalt  }
.Lfunc_end0:
.L_simem_size_0:
called_computation_lowered:
.L_overlay_start_0:
0x88: {  	s2 =	sld [smem:$0x3FD9]  }
0x89: {  	s3 =	sld [smem:$0x3FFE];
	_ =	sdelay $0x1  }
0x8a: {  	s1 =	srdreg.scid  }
0x8b: {  	s0 =	sand.u32 $0x1, s1  }
0x8c: {  	s17 =	sshll.u32 s0, $0xA;
	s2 =	sadd.s32 s3, s2  }
0x8d: {  	s2 =	sadd.s32 s2, s17  }
0x8e: {  	[smem:$0x3FC0] =	sst s2  }
0x8f: {  	_ = 	snop  }
0x90: {  	s2 =	sld [smem:$0x3FD0];
	(tm) =	ssettm $0x1  }
0x91: {  	s18 =	sld [smem:$0x3FFB];
	_ =	sdelay $0x3  }
0x92: {  	_ =	strace s18  }
0x93: {  	s3 =	sld [smem:$0x3FFC];
	_ =	sdelay $0x3  }
0x94: {  	_ =	strace s3  }
0x95: {  	s3 =	sld [smem:$0x3FFD];
	_ =	sdelay $0x3  }
0x96: {  	_ =	strace s3  }
0x97: {  	_ =	strace $0x8FFFFFFF  }
0x98: {  	s19 =	sld [smem:$0x3FDB];
	_ =	sdelay $0x1  }
0x99: {  	s4 =	simm.s32 $_scs_section_size  }
0x9a: {  	s5 =	simm.s32 $_size__tile_overlayer_lowered;
	s6 =	simm.s32 $_tile_overlayer_lowered  }
0x9b: {  	s22 =	simm.s32 $0x1BFF;
	s21 =	sshll.u32 s6, $0x1;
	s3 =	sadd.s32 s4, s19  }
0x9c: {  	s7 =	simm.s32 $0x0;
	s20 =	sshll.u32 s5, $0x1;
	s5 =	sadd.s32 s21, s3  }
0x9d: {  	[timem:s7], [sflag:s22] =	dma.local [hbm:s5], s20  }
0x9e: {  	_ =	swait.ge [sflag:s22], s20  }
0x9f: {  	s4 =	ssub.s32 $0x0, s20;
	[sflag:s22] =	ssyncset.done $0x0  }
0xa0: {  	[sflag:s22] =	ssyncadd.s32 s4;
	_ =	sdelay $0x1  }
0xa1: {  	s23 =	simm.s32 $0x1B8B  }
0xa2: {  	_ =	swait.ge [sflag:s23], $0x1  }
0xa3: {  	[sflag:s23] =	ssyncset.done $0x0  }
0xa4: {  	s25 =	simm.s32 $0x1B8E;
	s24 =	sld [smem:$0x3FFE];
	[sflag:s23] =	ssyncadd.s32 $0xFFFFFFFF  }
0xa5: {  	s26 =	simm.s32 $execute0_lowered;
	[smem:$0x3FD2] =	sst s25  }
0xa6: {  	s5 =	sshll.u32 s26, $0x1;
	_ =	strace $0x80000046;
	[dreg:$0x1] =	wrdreg $0xFFFFFFFF  }
0xa7: {  	s28 =	simm.s32 $_size_execute0_lowered;
	s3 =	sadd.s32 s3, s5;
	[dreg:$0x0] =	wrdreg $0x0  }
0xa8: {  	s5 =	sshll.u32 s28, $0x1;
	[dreg:$0x2] =	wrdreg s3  }
0xa9: {  	[dreg:$0x3] =	wrdreg s5  }
0xaa: {  	[dreg:$0x4] =	wrdreg $0xC0  }
0xab: {  	_ =	task [dreg:s7], $0x5FFFF  }
0xac: {  	[dreg:$0x1] =	wrdreg $0xFFFFFFFF  }
0xad: {  	[dreg:$0x0] =	wrdreg $0x60  }
0xae: {  	[dreg:$0x2] =	wrdreg s24  }
0xaf: {  	[dreg:$0x3] =	wrdreg s2  }
0xb0: {  	[dreg:$0x4] =	wrdreg $0x2C000  }
0xb1: {  	[dreg:$0x5] =	wrdreg $0x9  }
0xb2: {  	_ =	task.clear_ibuf [dreg:s7], $0x6FFFF;
	_ =	strace $0x90000046  }
0xb3: {  	s29 =	simm.s32 $0x9;
	_ =	strace $0x80000048  }
0xb4: {  	_ =	swait.ge [sflag:s29], $0x1  }
0xb5: {  	[sflag:s29] =	ssyncadd.s32 $0xFFFFFFFF  }
0xb6: {  	_ =	strace $0x90000048  }
0xb7: {  	_ =	sfence  }
0xb8: {  	s30 =	sld [smem:$0x0];
	_ =	sdelay $0x2  }
0xb9: {  	s31 =	sshll.u32 s1, $0xD;
	s1 =	sshrl.u32 s1, $0x2  }
0xba: {  	s3 =	sand.u32 $0x4000, s31;
	s1 =	sadd.s32 s1, s30  }
0xbb: {  	s0 =	sor.u32 s3, s0;
	s1 =	sshll.u32 s1, $0x11  }
0xbc: {  	s0 =	sor.u32 s1, s0  }
0xbd: {  	s0 =	sadd.s32 $0x8F2B, s0  }
0xbe: {  	[sflag:s0] =	ssyncadd.remote.s32 $0x1  }
0xbf: {  	_ =	sfence.sel $0xFFFF  }
0xc0: {  	[dreg:$0x0] =	wrdreg $0xFFFFFFFF;
	(pc) =	sbr.abs _section_cstart, $3  }
0xc1: {  	[dreg:$0x1] =	wrdreg $0xFFFFFFFF  }
0xc2: {  	_ =	task.clear_ibuf [dreg:s7], $0x2FFFF;
	_ =	strace $0x9FFFFFFF  }
0xc3: {  	(tm) =	ssettm $0x7FFFFFFF  }
tec
execute0_lowered:
.L_overlay_start_1:
0x0: {  	(tag) =	ssettag $0x1  }
0x1: {  	s5 =	rddreg [dreg:$0x0]  }
0x2: {  	s1 =	srdreg.scid;
	s6 =	rddreg [dreg:$0x1]  }
0x3: {  	s0 =	stileid.u32;
	s2 =	rddreg [dreg:$0x2];
	s3 =	simm.s32 $0x0  }
0x4: {  	s14 =	simm.s32 $0x1;
	s15 =	simm.s32 $0x0;
	s7 =	sand.u32 $0x1, s1  }
0x5: {  	s29 =	sshll.u32 s0, $0x1;
	s1 =	rddreg [dreg:$0x3];
	s8 =	smul.u32 $0x1400, s0  }
0x6: {  	[smem:$0x7FF] =	sst s3;
	s12 =	smul.u32 $0x500, s0;
	s31 =	sshll.u32 s0, $0x6  }
0x7: {  	s4 =	sor.u32 s7, s29;
	_ =	strace $0x80000047;
	s11 =	ssub.s32 $0x2, s7  }
0x8: {  	s7 =	sadd.s32 s6, s7;
	s4 =	smul.u32 $0x500, s4;
	s10 =	sshrl.u32 s8, $0x3  }
0x9: {  	s30 =	sshrl.u32 s11, $0x1;
	s13 =	sadd.s32 s8, s2;
	s7 =	sadd.s32 s12, s7  }
0xa: {  	s10 =	sadd.s32 s10, s5;
	s11 =	ssub.s32 s11, s30;
	s12 =	sshrl.u32 s13, $0x3  }
0xb: {  	s13 =	simm.s32 $0x80;
	s9 =	sadd.s32 s4, s5;
	s4 =	sadd.s32 $0x18C00, s5  }
0xc: {  	s6 =	sadd.s32 $0x16400, s10;
	s8 =	smax.u32 s11, $0x1;
	s10 =	simm.s32 $0x2800  }
0xd: {  	s11 =	sor.u32 $0x1C02, s31;
	s5 =	sadd.s32 $0x2400, s9;
	s9 =	simm.s32 $0x2  }
.LBB2_1:
0xe: {  	[tilespmem:s3], [sflag:$0x2] =	stream.linear.gather [hbm4b:s5+s3], $0x2800, $0x38;
	[tilespmem:$0x4000] =	vst v63  }
0xf: {  	_ =	swait.ge [sflag:s9], $0x2800  }
0x10: {  	[sflag:s9] =	ssyncset.done $0x0  }
0x11: {  	[sflag:s9] =	ssyncadd.s32 $0xFFFFD800  }
0x12: {  	[tilespmem:s10], [sflag:$0x2] =	stream.linear.gather [hbm4b:s4+s3], $0x400, $0x38;
	[tilespmem:$0x4000] =	vst v63  }
0x13: {  	_ =	swait.ge [sflag:s9], $0x400  }
0x14: {  	[sflag:s9] =	ssyncset.done $0x0  }
0x15: {  	[sflag:s9] =	ssyncadd.s32 $0xFFFFFC00  }
0x16: {  	[spmem:s12], [sflag:s11] =	dma.local [hbm:s6], $0x280  }
0x17: {  	_ =	swait.ge [sflag:s9], $0x280  }
0x18: {  	[sflag:s9] =	ssyncset.done $0x0  }
0x19: {  	[sflag:s9] =	ssyncadd.s32 $0xFFFFFD80  }
0x1a: {  	s16 =	simm.s32 $0x0;
	[bflag:$0x0] =	sbarrier.arrive $0xFFFF  }
.LBB2_2:
0x1b: {  	p0 =	sne.s32 s16, $0x9E00  }
.Ltmp0:
0x1c: {  	_ = 	snop;
	(pc) =	sbr.rel @p0 .LBB2_2-.Ltmp0, $3  }
0x1d: {  	_ =	sdelay $0x1  }
0x1e: {  	s17 =	sshra.s32 s16, $0x2;
	s16 =	sadd.s32 $0x200, s16  }
0x1f: {  	[spmem:s2] =	stream.indirect.scatter.add.f32 [tilespmem:s10], [sflag:$0x1], $0x8, s17, s13, $0xb8;
	[tilespmem:$0x4000] =	vst v63  }
0x20: {  	_ =	swait.ge [sflag:s14], $0x400  }
0x21: {  	s16 =	simm.s32 $0x4F;
	[sflag:s14] =	ssyncset.done $0x0  }
.LBB2_4:
0x22: {  	p0 =	sne.s32 s16, $0x1;
	s16 =	sadd.s32 $0xFFFFFFFF, s16;
	[sflag:s14] =	ssyncadd.s32 $0xFFFFFC00  }
.Ltmp1:
0x23: {  	(pc) =	sbr.rel @p0 .LBB2_4-.Ltmp1, $3  }
0x24: {  	_ =	sdelay $0x1  }
0x25: {  	_ =	swait.ge [sflag:s14], $0x400  }
0x26: {  	[sflag:s14] =	ssyncset.done $0x0  }
0x27: {  	s15 =	sadd.s32 $0x1, s15  }
0x28: {  	[sflag:s14] =	ssyncadd.s32 $0xFFFFFC00;
	p0 =	sne.s32 s15, s8  }
.Ltmp2:
0x29: {  	[bflag:$0x0] =	sbarrier.arrive $0xFFFF;
	(pc) =	sbr.rel @p0 .LBB2_1-.Ltmp2, $4  }
0x2a: {  	[hbm:s7@s9], [sflag:s11] =	dma.strided [spmem:s12@s14], $0x280, s14, $0x1   }
0x2b: {  	_ =	swait.ge [sflag:s9], $0x280  }
0x2c: {  	[sflag:s9] =	ssyncset.done $0x0  }
0x2d: {  	[sflag:s9] =	ssyncadd.s32 $0xFFFFFD80  }
0x2e: {  	_ =	sfence.sel $0x180000  }
0x2f: {  	[bflag:$0x0] =	sbarrier.arrive $0xFFFF  }
0x30: {  	p0 =	sne.s32 s0, $0x0;
	_ =	strace $0x90000047  }
0x31: {  	s0 =	sadd.s32 @!p0 $0x100000, s1;
	[bflag:$0x2] =	sbarrier.arrive $0xFFFF  }
0x32: {  	[sflag:s0] =	ssyncadd.tile.s32 @!p0 $0x1;
	_ =	shalt  }
.Lfunc_end2:
_tile_overlayer_lowered:
.L_overlay_start_2:
0x33: {  	(tag) =	ssettag $0x2  }
0x34: {  	s0 =	rddreg [dreg:$0x0];
	s2 =	stileid.u32  }
0x35: {  	s1 =	rddreg [dreg:$0x1];
	p0 =	sne.s32 s2, $0x0  }
0x36: {  	s3 =	rddreg [dreg:$0x2];
	[bflag:$0x3] =	sbarrier.arrive $0xFFFF;
	s2 =	simm.s32 @!p0 $0x1C02  }
0x37: {  	[timem:s3], [sflag:s2] =	dma.local @!p0 [hbm:s0], s1  }
0x38: {  	s0 =	simm.s32 @!p0 $0x2  }
0x39: {  	_ =	swait.ge @!p0 [sflag:s0], s1  }
0x3a: {  	s1 =	ssub.s32 @!p0 $0x0, s1;
	[sflag:s0] =	ssyncset.done @!p0 $0x0  }
0x3b: {  	[sflag:s0] =	ssyncadd.s32 @!p0 s1  }
0x3c: {  	[bflag:$0x3] =	sbarrier.arrive $0xFFFF  }
0x3d: {  	_ =	shalt  }

</sc_bundles>
